<compile_context>
chip_gen: v7x
topology: tpu7x:2x2x1
jax: 0.10.2.dev20260603
libtpu: 0.0.44.dev20260713+nightly
codegen_flags: <defaults>
</compile_context>

<pallas_src>
import jax
import jax.numpy as jnp
from jax import lax
from jax.experimental import pallas as pl
from jax.experimental.pallas import tpu as pltpu
from jax.experimental.pallas import tpu_sc as plsc

NUM_NODES = 100000
NUM_GRAPHS_K = 1024
NUM_WORKERS = 16
LANES = 16
CHUNK = 6256
NVEC_MAIN = CHUNK // LANES
LAST_BASE = CHUNK * (NUM_WORKERS - 1)
LAST_N = NUM_NODES - LAST_BASE
NVEC_LAST = LAST_N // LANES
NUM_REDUCERS = 8
BINS_PER_RED = NUM_GRAPHS_K // NUM_REDUCERS


def _body(x_hbm, ids_hbm, w_hbm, b_hbm, out_hbm,
          idx_v, x_v, acc_v, part_v, out_v, wb_v, sem, shared):
    sid = lax.axis_index("s")

    for j in range(NUM_GRAPHS_K // LANES):
        acc_v[pl.ds(j * LANES, LANES)] = jnp.zeros((LANES,), jnp.float32)

    def process(base, nvec):
        n = nvec * LANES
        cps = [
            pltpu.async_copy(
                ids_hbm.at[pl.ds(base, n)], idx_v.at[pl.ds(0, n)], sem),
            pltpu.async_copy(
                x_hbm.at[pl.ds(base, n)], x_v.at[pl.ds(0, n)], sem),
            pltpu.async_copy(w_hbm, wb_v.at[pl.ds(0, 1)], sem),
            pltpu.async_copy(b_hbm, wb_v.at[pl.ds(8, 1)], sem),
        ]
        for cp in cps:
            cp.wait()

        pos0 = lax.iota(jnp.int32, LANES) * nvec

        @plsc.parallel_loop(0, nvec, 1, unroll=8, carry=pos0)
        def _(i, pos):
            idx = plsc.load_gather(idx_v, [pos])
            xv = plsc.load_gather(x_v, [pos])
            plsc.addupdate_scatter(acc_v, [idx], xv)
            return pos + 1

    @pl.when(sid < NUM_WORKERS - 1)
    def _():
        process(sid * CHUNK, NVEC_MAIN)

    @pl.when(sid == NUM_WORKERS - 1)
    def _():
        process(LAST_BASE, NVEC_LAST)

    pltpu.sync_copy(acc_v, shared.at[pl.ds(sid * NUM_GRAPHS_K, NUM_GRAPHS_K)])
    plsc.subcore_barrier()

    @pl.when(sid < NUM_REDUCERS)
    def _():
        bin_base = sid * BINS_PER_RED
        cps = [
            pltpu.async_copy(
                shared.at[pl.ds(r * NUM_GRAPHS_K + bin_base, BINS_PER_RED)],
                part_v.at[pl.ds(r * BINS_PER_RED, BINS_PER_RED)], sem)
            for r in range(NUM_WORKERS)
        ]
        for cp in cps:
            cp.wait()
        wbvec = wb_v[pl.ds(0, LANES)]
        wv = wbvec[0]
        bv = wbvec[8]

        for j in range(BINS_PER_RED // LANES):
            def red_body(r, s):
                return s + part_v[pl.ds(r * BINS_PER_RED + j * LANES, LANES)]
            s = lax.fori_loop(0, NUM_WORKERS, red_body,
                              jnp.zeros((LANES,), jnp.float32))
            out_v[pl.ds(j * LANES, LANES)] = s * wv + bv

        pltpu.sync_copy(out_v, out_hbm.at[pl.ds(bin_base, BINS_PER_RED)])


@jax.jit
def _run(xf, ids, w1, b1):
    mesh = plsc.VectorSubcoreMesh(core_axis_name="c", subcore_axis_name="s",
                                  num_cores=1)
    f = pl.kernel(
        _body,
        out_type=jax.ShapeDtypeStruct((NUM_GRAPHS_K,), jnp.float32),
        mesh=mesh,
        compiler_params=pltpu.CompilerParams(needs_layout_passes=False),
        scratch_types=[
            pltpu.VMEM((CHUNK,), jnp.int32),
            pltpu.VMEM((CHUNK,), jnp.float32),
            pltpu.VMEM((NUM_GRAPHS_K,), jnp.float32),
            pltpu.VMEM((NUM_WORKERS * BINS_PER_RED,), jnp.float32),
            pltpu.VMEM((BINS_PER_RED,), jnp.float32),
            pltpu.VMEM((LANES,), jnp.float32),
            pltpu.SemaphoreType.DMA,
            pltpu.VMEM_SHARED((NUM_WORKERS * NUM_GRAPHS_K,), jnp.float32),
        ],
    )
    return f(xf, ids, w1, b1)


def kernel(x, batch_ids, W, b):
    xf = x.reshape(NUM_NODES)
    ids = batch_ids.astype(jnp.int32)
    out = _run(xf, ids, W.reshape(1), b.reshape(1))
    return out.reshape(NUM_GRAPHS_K, 1)

# --- scband reference (transcript-rebuilt; emitter-appended) ---
"""Pipeline reference for scband-model-class-61512521613955 (READ-ONLY COPY).

The authoritative reference and input builder live on the scoring server;
editing this copy changes nothing except your own understanding.
"""

import jax, jax.numpy as jnp
import numpy as np

NUM_GRAPHS = 1024

def setup_inputs(seed: int = 0) -> dict:
    key = jax.random.key(seed)
    k1, k2, k3, k4 = jax.random.split(key, 4)
    x = jax.random.normal(k1, (100000, 1), dtype=jnp.float32)
    batch_ids = jnp.sort(jax.random.randint(k2, (100000,), 0, NUM_GRAPHS, dtype=jnp.int64))
    # Linear(1, 1) parameters, PyTorch-style init
    bound = 1.0  # 1/sqrt(in_features)=1
    W = jax.random.uniform(k3, (1, 1), dtype=jnp.float32, minval=-bound, maxval=bound)
    b = jax.random.uniform(k4, (1,), dtype=jnp.float32, minval=-bound, maxval=bound)
    return {"x": x, "batch_ids": batch_ids, "W": W, "b": b}

def reference(x, batch_ids, W, b):
    # global_add_pool: sum node features per graph
    pooled = jax.ops.segment_sum(x, batch_ids, num_segments=NUM_GRAPHS)
    # end_lin: Linear(1, 1)
    out = pooled @ W.T + b
    return out

if __name__ == "__main__":
    import jax
    _d = setup_inputs()
    print(jax.jit(kernel)(*tuple(_d.values())))

</pallas_src>

<mosaic_0001>
#map = affine_map<(d0, d1) -> (0)>
module attributes {stable_mosaic.version = 14 : i64} {
  func.func @_body(%arg0: i32, %arg1: i32, %arg2: memref<100000xf32, #tpu.memory_space<hbm>>, %arg3: memref<100000xi32, #tpu.memory_space<hbm>>, %arg4: memref<1xf32, #tpu.memory_space<hbm>>, %arg5: memref<1xf32, #tpu.memory_space<hbm>>, %arg6: memref<1024xf32, #tpu.memory_space<hbm>>, %arg7: memref<6256xi32, #tpu.memory_space<vmem>>, %arg8: memref<6256xf32, #tpu.memory_space<vmem>>, %arg9: memref<1024xf32, #tpu.memory_space<vmem>>, %arg10: memref<2048xf32, #tpu.memory_space<vmem>>, %arg11: memref<128xf32, #tpu.memory_space<vmem>>, %arg12: memref<16xf32, #tpu.memory_space<vmem>>, %arg13: memref<!tpu.dma_semaphore, #tpu.memory_space<semaphore_mem>>, %arg14: memref<16384xf32, #tpu.memory_space<vmem_shared>>) attributes {dimension_semantics = [#tpu.dimension_semantics<core_parallel>, #tpu.dimension_semantics<subcore_parallel>], iteration_bounds = array<i64: 1, 16>, scalar_prefetch = 0 : i64, scratch_operands = 8 : i64, tpu.core_type = #tpu.core_type<sc_vector_subcore>, window_params = [{transform_indices = #map}, {transform_indices = #map}, {transform_indices = #map}, {transform_indices = #map}, {transform_indices = #map}]} {
    %broadcast_in_dim3A = arith.constant 0.000000e+00 : f32
    %broadcast_in_dim3A_0 = vector.broadcast %broadcast_in_dim3A : f32 to vector<16xf32>
    %swap3A = arith.constant 0 : index
    %swap3A_1 = tpu.vector_load %arg9[%swap3A] {strides = array<i32>} : memref<1024xf32, #tpu.memory_space<vmem>>, vector<16xf32>,
    tpu.vector_store %arg9[%swap3A], %broadcast_in_dim3A_0 {strides = array<i32>} : memref<1024xf32, #tpu.memory_space<vmem>>, vector<16xf32>,
    %broadcast_in_dim3A_2 = arith.constant 0.000000e+00 : f32
    %broadcast_in_dim3A_3 = vector.broadcast %broadcast_in_dim3A_2 : f32 to vector<16xf32>
    %swap3A_4 = arith.constant 16 : index
    %swap3A_5 = tpu.vector_load %arg9[%swap3A_4] {strides = array<i32>} : memref<1024xf32, #tpu.memory_space<vmem>>, vector<16xf32>,
    tpu.vector_store %arg9[%swap3A_4], %broadcast_in_dim3A_3 {strides = array<i32>} : memref<1024xf32, #tpu.memory_space<vmem>>, vector<16xf32>,
    %broadcast_in_dim3A_6 = arith.constant 0.000000e+00 : f32
    %broadcast_in_dim3A_7 = vector.broadcast %broadcast_in_dim3A_6 : f32 to vector<16xf32>
    %swap3A_8 = arith.constant 32 : index
    %swap3A_9 = tpu.vector_load %arg9[%swap3A_8] {strides = array<i32>} : memref<1024xf32, #tpu.memory_space<vmem>>, vector<16xf32>,
    tpu.vector_store %arg9[%swap3A_8], %broadcast_in_dim3A_7 {strides = array<i32>} : memref<1024xf32, #tpu.memory_space<vmem>>, vector<16xf32>,
    %broadcast_in_dim3A_10 = arith.constant 0.000000e+00 : f32
    %broadcast_in_dim3A_11 = vector.broadcast %broadcast_in_dim3A_10 : f32 to vector<16xf32>
    %swap3A_12 = arith.constant 48 : index
    %swap3A_13 = tpu.vector_load %arg9[%swap3A_12] {strides = array<i32>} : memref<1024xf32, #tpu.memory_space<vmem>>, vector<16xf32>,
    tpu.vector_store %arg9[%swap3A_12], %broadcast_in_dim3A_11 {strides = array<i32>} : memref<1024xf32, #tpu.memory_space<vmem>>, vector<16xf32>,
    %broadcast_in_dim3A_14 = arith.constant 0.000000e+00 : f32
    %broadcast_in_dim3A_15 = vector.broadcast %broadcast_in_dim3A_14 : f32 to vector<16xf32>
    %swap3A_16 = arith.constant 64 : index
    %swap3A_17 = tpu.vector_load %arg9[%swap3A_16] {strides = array<i32>} : memref<1024xf32, #tpu.memory_space<vmem>>, vector<16xf32>,
    tpu.vector_store %arg9[%swap3A_16], %broadcast_in_dim3A_15 {strides = array<i32>} : memref<1024xf32, #tpu.memory_space<vmem>>, vector<16xf32>,
    %broadcast_in_dim3A_18 = arith.constant 0.000000e+00 : f32
    %broadcast_in_dim3A_19 = vector.broadcast %broadcast_in_dim3A_18 : f32 to vector<16xf32>
    %swap3A_20 = arith.constant 80 : index
    %swap3A_21 = tpu.vector_load %arg9[%swap3A_20] {strides = array<i32>} : memref<1024xf32, #tpu.memory_space<vmem>>, vector<16xf32>,
    tpu.vector_store %arg9[%swap3A_20], %broadcast_in_dim3A_19 {strides = array<i32>} : memref<1024xf32, #tpu.memory_space<vmem>>, vector<16xf32>,
    %broadcast_in_dim3A_22 = arith.constant 0.000000e+00 : f32
    %broadcast_in_dim3A_23 = vector.broadcast %broadcast_in_dim3A_22 : f32 to vector<16xf32>
    %swap3A_24 = arith.constant 96 : index
    %swap3A_25 = tpu.vector_load %arg9[%swap3A_24] {strides = array<i32>} : memref<1024xf32, #tpu.memory_space<vmem>>, vector<16xf32>,
    tpu.vector_store %arg9[%swap3A_24], %broadcast_in_dim3A_23 {strides = array<i32>} : memref<1024xf32, #tpu.memory_space<vmem>>, vector<16xf32>,
    %broadcast_in_dim3A_26 = arith.constant 0.000000e+00 : f32
    %broadcast_in_dim3A_27 = vector.broadcast %broadcast_in_dim3A_26 : f32 to vector<16xf32>
    %swap3A_28 = arith.constant 112 : index
    %swap3A_29 = tpu.vector_load %arg9[%swap3A_28] {strides = array<i32>} : memref<1024xf32, #tpu.memory_space<vmem>>, vector<16xf32>,
    tpu.vector_store %arg9[%swap3A_28], %broadcast_in_dim3A_27 {strides = array<i32>} : memref<1024xf32, #tpu.memory_space<vmem>>, vector<16xf32>,
    %broadcast_in_dim3A_30 = arith.constant 0.000000e+00 : f32
    %broadcast_in_dim3A_31 = vector.broadcast %broadcast_in_dim3A_30 : f32 to vector<16xf32>
    %swap3A_32 = arith.constant 128 : index
    %swap3A_33 = tpu.vector_load %arg9[%swap3A_32] {strides = array<i32>} : memref<1024xf32, #tpu.memory_space<vmem>>, vector<16xf32>,
    tpu.vector_store %arg9[%swap3A_32], %broadcast_in_dim3A_31 {strides = array<i32>} : memref<1024xf32, #tpu.memory_space<vmem>>, vector<16xf32>,
    %broadcast_in_dim3A_34 = arith.constant 0.000000e+00 : f32
    %broadcast_in_dim3A_35 = vector.broadcast %broadcast_in_dim3A_34 : f32 to vector<16xf32>
    %swap3A_36 = arith.constant 144 : index
    %swap3A_37 = tpu.vector_load %arg9[%swap3A_36] {strides = array<i32>} : memref<1024xf32, #tpu.memory_space<vmem>>, vector<16xf32>,
    tpu.vector_store %arg9[%swap3A_36], %broadcast_in_dim3A_35 {strides = array<i32>} : memref<1024xf32, #tpu.memory_space<vmem>>, vector<16xf32>,
    %broadcast_in_dim3A_38 = arith.constant 0.000000e+00 : f32
    %broadcast_in_dim3A_39 = vector.broadcast %broadcast_in_dim3A_38 : f32 to vector<16xf32>
    %swap3A_40 = arith.constant 160 : index
    %swap3A_41 = tpu.vector_load %arg9[%swap3A_40] {strides = array<i32>} : memref<1024xf32, #tpu.memory_space<vmem>>, vector<16xf32>,
    tpu.vector_store %arg9[%swap3A_40], %broadcast_in_dim3A_39 {strides = array<i32>} : memref<1024xf32, #tpu.memory_space<vmem>>, vector<16xf32>,
    %broadcast_in_dim3A_42 = arith.constant 0.000000e+00 : f32
    %broadcast_in_dim3A_43 = vector.broadcast %broadcast_in_dim3A_42 : f32 to vector<16xf32>
    %swap3A_44 = arith.constant 176 : index
    %swap3A_45 = tpu.vector_load %arg9[%swap3A_44] {strides = array<i32>} : memref<1024xf32, #tpu.memory_space<vmem>>, vector<16xf32>,
    tpu.vector_store %arg9[%swap3A_44], %broadcast_in_dim3A_43 {strides = array<i32>} : memref<1024xf32, #tpu.memory_space<vmem>>, vector<16xf32>,
    %broadcast_in_dim3A_46 = arith.constant 0.000000e+00 : f32
    %broadcast_in_dim3A_47 = vector.broadcast %broadcast_in_dim3A_46 : f32 to vector<16xf32>
    %swap3A_48 = arith.constant 192 : index
    %swap3A_49 = tpu.vector_load %arg9[%swap3A_48] {strides = array<i32>} : memref<1024xf32, #tpu.memory_space<vmem>>, vector<16xf32>,
    tpu.vector_store %arg9[%swap3A_48], %broadcast_in_dim3A_47 {strides = array<i32>} : memref<1024xf32, #tpu.memory_space<vmem>>, vector<16xf32>,
    %broadcast_in_dim3A_50 = arith.constant 0.000000e+00 : f32
    %broadcast_in_dim3A_51 = vector.broadcast %broadcast_in_dim3A_50 : f32 to vector<16xf32>
    %swap3A_52 = arith.constant 208 : index
    %swap3A_53 = tpu.vector_load %arg9[%swap3A_52] {strides = array<i32>} : memref<1024xf32, #tpu.memory_space<vmem>>, vector<16xf32>,
    tpu.vector_store %arg9[%swap3A_52], %broadcast_in_dim3A_51 {strides = array<i32>} : memref<1024xf32, #tpu.memory_space<vmem>>, vector<16xf32>,
    %broadcast_in_dim3A_54 = arith.constant 0.000000e+00 : f32
    %broadcast_in_dim3A_55 = vector.broadcast %broadcast_in_dim3A_54 : f32 to vector<16xf32>
    %swap3A_56 = arith.constant 224 : index
    %swap3A_57 = tpu.vector_load %arg9[%swap3A_56] {strides = array<i32>} : memref<1024xf32, #tpu.memory_space<vmem>>, vector<16xf32>,
    tpu.vector_store %arg9[%swap3A_56], %broadcast_in_dim3A_55 {strides = array<i32>} : memref<1024xf32, #tpu.memory_space<vmem>>, vector<16xf32>,
    %broadcast_in_dim3A_58 = arith.constant 0.000000e+00 : f32
    %broadcast_in_dim3A_59 = vector.broadcast %broadcast_in_dim3A_58 : f32 to vector<16xf32>
    %swap3A_60 = arith.constant 240 : index
    %swap3A_61 = tpu.vector_load %arg9[%swap3A_60] {strides = array<i32>} : memref<1024xf32, #tpu.memory_space<vmem>>, vector<16xf32>,
    tpu.vector_store %arg9[%swap3A_60], %broadcast_in_dim3A_59 {strides = array<i32>} : memref<1024xf32, #tpu.memory_space<vmem>>, vector<16xf32>,
    %broadcast_in_dim3A_62 = arith.constant 0.000000e+00 : f32
    %broadcast_in_dim3A_63 = vector.broadcast %broadcast_in_dim3A_62 : f32 to vector<16xf32>
    %swap3A_64 = arith.constant 256 : index
    %swap3A_65 = tpu.vector_load %arg9[%swap3A_64] {strides = array<i32>} : memref<1024xf32, #tpu.memory_space<vmem>>, vector<16xf32>,
    tpu.vector_store %arg9[%swap3A_64], %broadcast_in_dim3A_63 {strides = array<i32>} : memref<1024xf32, #tpu.memory_space<vmem>>, vector<16xf32>,
    %broadcast_in_dim3A_66 = arith.constant 0.000000e+00 : f32
    %broadcast_in_dim3A_67 = vector.broadcast %broadcast_in_dim3A_66 : f32 to vector<16xf32>
    %swap3A_68 = arith.constant 272 : index
    %swap3A_69 = tpu.vector_load %arg9[%swap3A_68] {strides = array<i32>} : memref<1024xf32, #tpu.memory_space<vmem>>, vector<16xf32>,
    tpu.vector_store %arg9[%swap3A_68], %broadcast_in_dim3A_67 {strides = array<i32>} : memref<1024xf32, #tpu.memory_space<vmem>>, vector<16xf32>,
    %broadcast_in_dim3A_70 = arith.constant 0.000000e+00 : f32
    %broadcast_in_dim3A_71 = vector.broadcast %broadcast_in_dim3A_70 : f32 to vector<16xf32>
    %swap3A_72 = arith.constant 288 : index
    %swap3A_73 = tpu.vector_load %arg9[%swap3A_72] {strides = array<i32>} : memref<1024xf32, #tpu.memory_space<vmem>>, vector<16xf32>,
    tpu.vector_store %arg9[%swap3A_72], %broadcast_in_dim3A_71 {strides = array<i32>} : memref<1024xf32, #tpu.memory_space<vmem>>, vector<16xf32>,
    %broadcast_in_dim3A_74 = arith.constant 0.000000e+00 : f32
    %broadcast_in_dim3A_75 = vector.broadcast %broadcast_in_dim3A_74 : f32 to vector<16xf32>
    %swap3A_76 = arith.constant 304 : index
    %swap3A_77 = tpu.vector_load %arg9[%swap3A_76] {strides = array<i32>} : memref<1024xf32, #tpu.memory_space<vmem>>, vector<16xf32>,
    tpu.vector_store %arg9[%swap3A_76], %broadcast_in_dim3A_75 {strides = array<i32>} : memref<1024xf32, #tpu.memory_space<vmem>>, vector<16xf32>,
    %broadcast_in_dim3A_78 = arith.constant 0.000000e+00 : f32
    %broadcast_in_dim3A_79 = vector.broadcast %broadcast_in_dim3A_78 : f32 to vector<16xf32>
    %swap3A_80 = arith.constant 320 : index
    %swap3A_81 = tpu.vector_load %arg9[%swap3A_80] {strides = array<i32>} : memref<1024xf32, #tpu.memory_space<vmem>>, vector<16xf32>,
    tpu.vector_store %arg9[%swap3A_80], %broadcast_in_dim3A_79 {strides = array<i32>} : memref<1024xf32, #tpu.memory_space<vmem>>, vector<16xf32>,
    %broadcast_in_dim3A_82 = arith.constant 0.000000e+00 : f32
    %broadcast_in_dim3A_83 = vector.broadcast %broadcast_in_dim3A_82 : f32 to vector<16xf32>
    %swap3A_84 = arith.constant 336 : index
    %swap3A_85 = tpu.vector_load %arg9[%swap3A_84] {strides = array<i32>} : memref<1024xf32, #tpu.memory_space<vmem>>, vector<16xf32>,
    tpu.vector_store %arg9[%swap3A_84], %broadcast_in_dim3A_83 {strides = array<i32>} : memref<1024xf32, #tpu.memory_space<vmem>>, vector<16xf32>,
    %broadcast_in_dim3A_86 = arith.constant 0.000000e+00 : f32
    %broadcast_in_dim3A_87 = vector.broadcast %broadcast_in_dim3A_86 : f32 to vector<16xf32>
    %swap3A_88 = arith.constant 352 : index
    %swap3A_89 = tpu.vector_load %arg9[%swap3A_88] {strides = array<i32>} : memref<1024xf32, #tpu.memory_space<vmem>>, vector<16xf32>,
    tpu.vector_store %arg9[%swap3A_88], %broadcast_in_dim3A_87 {strides = array<i32>} : memref<1024xf32, #tpu.memory_space<vmem>>, vector<16xf32>,
    %broadcast_in_dim3A_90 = arith.constant 0.000000e+00 : f32
    %broadcast_in_dim3A_91 = vector.broadcast %broadcast_in_dim3A_90 : f32 to vector<16xf32>
    %swap3A_92 = arith.constant 368 : index
    %swap3A_93 = tpu.vector_load %arg9[%swap3A_92] {strides = array<i32>} : memref<1024xf32, #tpu.memory_space<vmem>>, vector<16xf32>,
    tpu.vector_store %arg9[%swap3A_92], %broadcast_in_dim3A_91 {strides = array<i32>} : memref<1024xf32, #tpu.memory_space<vmem>>, vector<16xf32>,
    %broadcast_in_dim3A_94 = arith.constant 0.000000e+00 : f32
    %broadcast_in_dim3A_95 = vector.broadcast %broadcast_in_dim3A_94 : f32 to vector<16xf32>
    %swap3A_96 = arith.constant 384 : index
    %swap3A_97 = tpu.vector_load %arg9[%swap3A_96] {strides = array<i32>} : memref<1024xf32, #tpu.memory_space<vmem>>, vector<16xf32>,
    tpu.vector_store %arg9[%swap3A_96], %broadcast_in_dim3A_95 {strides = array<i32>} : memref<1024xf32, #tpu.memory_space<vmem>>, vector<16xf32>,
    %broadcast_in_dim3A_98 = arith.constant 0.000000e+00 : f32
    %broadcast_in_dim3A_99 = vector.broadcast %broadcast_in_dim3A_98 : f32 to vector<16xf32>
    %swap3A_100 = arith.constant 400 : index
    %swap3A_101 = tpu.vector_load %arg9[%swap3A_100] {strides = array<i32>} : memref<1024xf32, #tpu.memory_space<vmem>>, vector<16xf32>,
    tpu.vector_store %arg9[%swap3A_100], %broadcast_in_dim3A_99 {strides = array<i32>} : memref<1024xf32, #tpu.memory_space<vmem>>, vector<16xf32>,
    %broadcast_in_dim3A_102 = arith.constant 0.000000e+00 : f32
    %broadcast_in_dim3A_103 = vector.broadcast %broadcast_in_dim3A_102 : f32 to vector<16xf32>
    %swap3A_104 = arith.constant 416 : index
    %swap3A_105 = tpu.vector_load %arg9[%swap3A_104] {strides = array<i32>} : memref<1024xf32, #tpu.memory_space<vmem>>, vector<16xf32>,
    tpu.vector_store %arg9[%swap3A_104], %broadcast_in_dim3A_103 {strides = array<i32>} : memref<1024xf32, #tpu.memory_space<vmem>>, vector<16xf32>,
    %broadcast_in_dim3A_106 = arith.constant 0.000000e+00 : f32
    %broadcast_in_dim3A_107 = vector.broadcast %broadcast_in_dim3A_106 : f32 to vector<16xf32>
    %swap3A_108 = arith.constant 432 : index
    %swap3A_109 = tpu.vector_load %arg9[%swap3A_108] {strides = array<i32>} : memref<1024xf32, #tpu.memory_space<vmem>>, vector<16xf32>,
    tpu.vector_store %arg9[%swap3A_108], %broadcast_in_dim3A_107 {strides = array<i32>} : memref<1024xf32, #tpu.memory_space<vmem>>, vector<16xf32>,
    %broadcast_in_dim3A_110 = arith.constant 0.000000e+00 : f32
    %broadcast_in_dim3A_111 = vector.broadcast %broadcast_in_dim3A_110 : f32 to vector<16xf32>
    %swap3A_112 = arith.constant 448 : index
    %swap3A_113 = tpu.vector_load %arg9[%swap3A_112] {strides = array<i32>} : memref<1024xf32, #tpu.memory_space<vmem>>, vector<16xf32>,
    tpu.vector_store %arg9[%swap3A_112], %broadcast_in_dim3A_111 {strides = array<i32>} : memref<1024xf32, #tpu.memory_space<vmem>>, vector<16xf32>,
    %broadcast_in_dim3A_114 = arith.constant 0.000000e+00 : f32
    %broadcast_in_dim3A_115 = vector.broadcast %broadcast_in_dim3A_114 : f32 to vector<16xf32>
    %swap3A_116 = arith.constant 464 : index
    %swap3A_117 = tpu.vector_load %arg9[%swap3A_116] {strides = array<i32>} : memref<1024xf32, #tpu.memory_space<vmem>>, vector<16xf32>,
    tpu.vector_store %arg9[%swap3A_116], %broadcast_in_dim3A_115 {strides = array<i32>} : memref<1024xf32, #tpu.memory_space<vmem>>, vector<16xf32>,
    %broadcast_in_dim3A_118 = arith.constant 0.000000e+00 : f32
    %broadcast_in_dim3A_119 = vector.broadcast %broadcast_in_dim3A_118 : f32 to vector<16xf32>
    %swap3A_120 = arith.constant 480 : index
    %swap3A_121 = tpu.vector_load %arg9[%swap3A_120] {strides = array<i32>} : memref<1024xf32, #tpu.memory_space<vmem>>, vector<16xf32>,
    tpu.vector_store %arg9[%swap3A_120], %broadcast_in_dim3A_119 {strides = array<i32>} : memref<1024xf32, #tpu.memory_space<vmem>>, vector<16xf32>,
    %broadcast_in_dim3A_122 = arith.constant 0.000000e+00 : f32
    %broadcast_in_dim3A_123 = vector.broadcast %broadcast_in_dim3A_122 : f32 to vector<16xf32>
    %swap3A_124 = arith.constant 496 : index
    %swap3A_125 = tpu.vector_load %arg9[%swap3A_124] {strides = array<i32>} : memref<1024xf32, #tpu.memory_space<vmem>>, vector<16xf32>,
    tpu.vector_store %arg9[%swap3A_124], %broadcast_in_dim3A_123 {strides = array<i32>} : memref<1024xf32, #tpu.memory_space<vmem>>, vector<16xf32>,
    %broadcast_in_dim3A_126 = arith.constant 0.000000e+00 : f32
    %broadcast_in_dim3A_127 = vector.broadcast %broadcast_in_dim3A_126 : f32 to vector<16xf32>
    %swap3A_128 = arith.constant 512 : index
    %swap3A_129 = tpu.vector_load %arg9[%swap3A_128] {strides = array<i32>} : memref<1024xf32, #tpu.memory_space<vmem>>, vector<16xf32>,
    tpu.vector_store %arg9[%swap3A_128], %broadcast_in_dim3A_127 {strides = array<i32>} : memref<1024xf32, #tpu.memory_space<vmem>>, vector<16xf32>,
    %broadcast_in_dim3A_130 = arith.constant 0.000000e+00 : f32
    %broadcast_in_dim3A_131 = vector.broadcast %broadcast_in_dim3A_130 : f32 to vector<16xf32>
    %swap3A_132 = arith.constant 528 : index
    %swap3A_133 = tpu.vector_load %arg9[%swap3A_132] {strides = array<i32>} : memref<1024xf32, #tpu.memory_space<vmem>>, vector<16xf32>,
    tpu.vector_store %arg9[%swap3A_132], %broadcast_in_dim3A_131 {strides = array<i32>} : memref<1024xf32, #tpu.memory_space<vmem>>, vector<16xf32>,
    %broadcast_in_dim3A_134 = arith.constant 0.000000e+00 : f32
    %broadcast_in_dim3A_135 = vector.broadcast %broadcast_in_dim3A_134 : f32 to vector<16xf32>
    %swap3A_136 = arith.constant 544 : index
    %swap3A_137 = tpu.vector_load %arg9[%swap3A_136] {strides = array<i32>} : memref<1024xf32, #tpu.memory_space<vmem>>, vector<16xf32>,
    tpu.vector_store %arg9[%swap3A_136], %broadcast_in_dim3A_135 {strides = array<i32>} : memref<1024xf32, #tpu.memory_space<vmem>>, vector<16xf32>,
    %broadcast_in_dim3A_138 = arith.constant 0.000000e+00 : f32
    %broadcast_in_dim3A_139 = vector.broadcast %broadcast_in_dim3A_138 : f32 to vector<16xf32>
    %swap3A_140 = arith.constant 560 : index
    %swap3A_141 = tpu.vector_load %arg9[%swap3A_140] {strides = array<i32>} : memref<1024xf32, #tpu.memory_space<vmem>>, vector<16xf32>,
    tpu.vector_store %arg9[%swap3A_140], %broadcast_in_dim3A_139 {strides = array<i32>} : memref<1024xf32, #tpu.memory_space<vmem>>, vector<16xf32>,
    %broadcast_in_dim3A_142 = arith.constant 0.000000e+00 : f32
    %broadcast_in_dim3A_143 = vector.broadcast %broadcast_in_dim3A_142 : f32 to vector<16xf32>
    %swap3A_144 = arith.constant 576 : index
    %swap3A_145 = tpu.vector_load %arg9[%swap3A_144] {strides = array<i32>} : memref<1024xf32, #tpu.memory_space<vmem>>, vector<16xf32>,
    tpu.vector_store %arg9[%swap3A_144], %broadcast_in_dim3A_143 {strides = array<i32>} : memref<1024xf32, #tpu.memory_space<vmem>>, vector<16xf32>,
    %broadcast_in_dim3A_146 = arith.constant 0.000000e+00 : f32
    %broadcast_in_dim3A_147 = vector.broadcast %broadcast_in_dim3A_146 : f32 to vector<16xf32>
    %swap3A_148 = arith.constant 592 : index
    %swap3A_149 = tpu.vector_load %arg9[%swap3A_148] {strides = array<i32>} : memref<1024xf32, #tpu.memory_space<vmem>>, vector<16xf32>,
    tpu.vector_store %arg9[%swap3A_148], %broadcast_in_dim3A_147 {strides = array<i32>} : memref<1024xf32, #tpu.memory_space<vmem>>, vector<16xf32>,
    %broadcast_in_dim3A_150 = arith.constant 0.000000e+00 : f32
    %broadcast_in_dim3A_151 = vector.broadcast %broadcast_in_dim3A_150 : f32 to vector<16xf32>
    %swap3A_152 = arith.constant 608 : index
    %swap3A_153 = tpu.vector_load %arg9[%swap3A_152] {strides = array<i32>} : memref<1024xf32, #tpu.memory_space<vmem>>, vector<16xf32>,
    tpu.vector_store %arg9[%swap3A_152], %broadcast_in_dim3A_151 {strides = array<i32>} : memref<1024xf32, #tpu.memory_space<vmem>>, vector<16xf32>,
    %broadcast_in_dim3A_154 = arith.constant 0.000000e+00 : f32
    %broadcast_in_dim3A_155 = vector.broadcast %broadcast_in_dim3A_154 : f32 to vector<16xf32>
    %swap3A_156 = arith.constant 624 : index
    %swap3A_157 = tpu.vector_load %arg9[%swap3A_156] {strides = array<i32>} : memref<1024xf32, #tpu.memory_space<vmem>>, vector<16xf32>,
    tpu.vector_store %arg9[%swap3A_156], %broadcast_in_dim3A_155 {strides = array<i32>} : memref<1024xf32, #tpu.memory_space<vmem>>, vector<16xf32>,
    %broadcast_in_dim3A_158 = arith.constant 0.000000e+00 : f32
    %broadcast_in_dim3A_159 = vector.broadcast %broadcast_in_dim3A_158 : f32 to vector<16xf32>
    %swap3A_160 = arith.constant 640 : index
    %swap3A_161 = tpu.vector_load %arg9[%swap3A_160] {strides = array<i32>} : memref<1024xf32, #tpu.memory_space<vmem>>, vector<16xf32>,
    tpu.vector_store %arg9[%swap3A_160], %broadcast_in_dim3A_159 {strides = array<i32>} : memref<1024xf32, #tpu.memory_space<vmem>>, vector<16xf32>,
    %broadcast_in_dim3A_162 = arith.constant 0.000000e+00 : f32
    %broadcast_in_dim3A_163 = vector.broadcast %broadcast_in_dim3A_162 : f32 to vector<16xf32>
    %swap3A_164 = arith.constant 656 : index
    %swap3A_165 = tpu.vector_load %arg9[%swap3A_164] {strides = array<i32>} : memref<1024xf32, #tpu.memory_space<vmem>>, vector<16xf32>,
    tpu.vector_store %arg9[%swap3A_164], %broadcast_in_dim3A_163 {strides = array<i32>} : memref<1024xf32, #tpu.memory_space<vmem>>, vector<16xf32>,
    %broadcast_in_dim3A_166 = arith.constant 0.000000e+00 : f32
    %broadcast_in_dim3A_167 = vector.broadcast %broadcast_in_dim3A_166 : f32 to vector<16xf32>
    %swap3A_168 = arith.constant 672 : index
    %swap3A_169 = tpu.vector_load %arg9[%swap3A_168] {strides = array<i32>} : memref<1024xf32, #tpu.memory_space<vmem>>, vector<16xf32>,
    tpu.vector_store %arg9[%swap3A_168], %broadcast_in_dim3A_167 {strides = array<i32>} : memref<1024xf32, #tpu.memory_space<vmem>>, vector<16xf32>,
    %broadcast_in_dim3A_170 = arith.constant 0.000000e+00 : f32
    %broadcast_in_dim3A_171 = vector.broadcast %broadcast_in_dim3A_170 : f32 to vector<16xf32>
    %swap3A_172 = arith.constant 688 : index
    %swap3A_173 = tpu.vector_load %arg9[%swap3A_172] {strides = array<i32>} : memref<1024xf32, #tpu.memory_space<vmem>>, vector<16xf32>,
    tpu.vector_store %arg9[%swap3A_172], %broadcast_in_dim3A_171 {strides = array<i32>} : memref<1024xf32, #tpu.memory_space<vmem>>, vector<16xf32>,
    %broadcast_in_dim3A_174 = arith.constant 0.000000e+00 : f32
    %broadcast_in_dim3A_175 = vector.broadcast %broadcast_in_dim3A_174 : f32 to vector<16xf32>
    %swap3A_176 = arith.constant 704 : index
    %swap3A_177 = tpu.vector_load %arg9[%swap3A_176] {strides = array<i32>} : memref<1024xf32, #tpu.memory_space<vmem>>, vector<16xf32>,
    tpu.vector_store %arg9[%swap3A_176], %broadcast_in_dim3A_175 {strides = array<i32>} : memref<1024xf32, #tpu.memory_space<vmem>>, vector<16xf32>,
    %broadcast_in_dim3A_178 = arith.constant 0.000000e+00 : f32
    %broadcast_in_dim3A_179 = vector.broadcast %broadcast_in_dim3A_178 : f32 to vector<16xf32>
    %swap3A_180 = arith.constant 720 : index
    %swap3A_181 = tpu.vector_load %arg9[%swap3A_180] {strides = array<i32>} : memref<1024xf32, #tpu.memory_space<vmem>>, vector<16xf32>,
    tpu.vector_store %arg9[%swap3A_180], %broadcast_in_dim3A_179 {strides = array<i32>} : memref<1024xf32, #tpu.memory_space<vmem>>, vector<16xf32>,
    %broadcast_in_dim3A_182 = arith.constant 0.000000e+00 : f32
    %broadcast_in_dim3A_183 = vector.broadcast %broadcast_in_dim3A_182 : f32 to vector<16xf32>
    %swap3A_184 = arith.constant 736 : index
    %swap3A_185 = tpu.vector_load %arg9[%swap3A_184] {strides = array<i32>} : memref<1024xf32, #tpu.memory_space<vmem>>, vector<16xf32>,
    tpu.vector_store %arg9[%swap3A_184], %broadcast_in_dim3A_183 {strides = array<i32>} : memref<1024xf32, #tpu.memory_space<vmem>>, vector<16xf32>,
    %broadcast_in_dim3A_186 = arith.constant 0.000000e+00 : f32
    %broadcast_in_dim3A_187 = vector.broadcast %broadcast_in_dim3A_186 : f32 to vector<16xf32>
    %swap3A_188 = arith.constant 752 : index
    %swap3A_189 = tpu.vector_load %arg9[%swap3A_188] {strides = array<i32>} : memref<1024xf32, #tpu.memory_space<vmem>>, vector<16xf32>,
    tpu.vector_store %arg9[%swap3A_188], %broadcast_in_dim3A_187 {strides = array<i32>} : memref<1024xf32, #tpu.memory_space<vmem>>, vector<16xf32>,
    %broadcast_in_dim3A_190 = arith.constant 0.000000e+00 : f32
    %broadcast_in_dim3A_191 = vector.broadcast %broadcast_in_dim3A_190 : f32 to vector<16xf32>
    %swap3A_192 = arith.constant 768 : index
    %swap3A_193 = tpu.vector_load %arg9[%swap3A_192] {strides = array<i32>} : memref<1024xf32, #tpu.memory_space<vmem>>, vector<16xf32>,
    tpu.vector_store %arg9[%swap3A_192], %broadcast_in_dim3A_191 {strides = array<i32>} : memref<1024xf32, #tpu.memory_space<vmem>>, vector<16xf32>,
    %broadcast_in_dim3A_194 = arith.constant 0.000000e+00 : f32
    %broadcast_in_dim3A_195 = vector.broadcast %broadcast_in_dim3A_194 : f32 to vector<16xf32>
    %swap3A_196 = arith.constant 784 : index
    %swap3A_197 = tpu.vector_load %arg9[%swap3A_196] {strides = array<i32>} : memref<1024xf32, #tpu.memory_space<vmem>>, vector<16xf32>,
    tpu.vector_store %arg9[%swap3A_196], %broadcast_in_dim3A_195 {strides = array<i32>} : memref<1024xf32, #tpu.memory_space<vmem>>, vector<16xf32>,
    %broadcast_in_dim3A_198 = arith.constant 0.000000e+00 : f32
    %broadcast_in_dim3A_199 = vector.broadcast %broadcast_in_dim3A_198 : f32 to vector<16xf32>
    %swap3A_200 = arith.constant 800 : index
    %swap3A_201 = tpu.vector_load %arg9[%swap3A_200] {strides = array<i32>} : memref<1024xf32, #tpu.memory_space<vmem>>, vector<16xf32>,
    tpu.vector_store %arg9[%swap3A_200], %broadcast_in_dim3A_199 {strides = array<i32>} : memref<1024xf32, #tpu.memory_space<vmem>>, vector<16xf32>,
    %broadcast_in_dim3A_202 = arith.constant 0.000000e+00 : f32
    %broadcast_in_dim3A_203 = vector.broadcast %broadcast_in_dim3A_202 : f32 to vector<16xf32>
    %swap3A_204 = arith.constant 816 : index
    %swap3A_205 = tpu.vector_load %arg9[%swap3A_204] {strides = array<i32>} : memref<1024xf32, #tpu.memory_space<vmem>>, vector<16xf32>,
    tpu.vector_store %arg9[%swap3A_204], %broadcast_in_dim3A_203 {strides = array<i32>} : memref<1024xf32, #tpu.memory_space<vmem>>, vector<16xf32>,
    %broadcast_in_dim3A_206 = arith.constant 0.000000e+00 : f32
    %broadcast_in_dim3A_207 = vector.broadcast %broadcast_in_dim3A_206 : f32 to vector<16xf32>
    %swap3A_208 = arith.constant 832 : index
    %swap3A_209 = tpu.vector_load %arg9[%swap3A_208] {strides = array<i32>} : memref<1024xf32, #tpu.memory_space<vmem>>, vector<16xf32>,
    tpu.vector_store %arg9[%swap3A_208], %broadcast_in_dim3A_207 {strides = array<i32>} : memref<1024xf32, #tpu.memory_space<vmem>>, vector<16xf32>,
    %broadcast_in_dim3A_210 = arith.constant 0.000000e+00 : f32
    %broadcast_in_dim3A_211 = vector.broadcast %broadcast_in_dim3A_210 : f32 to vector<16xf32>
    %swap3A_212 = arith.constant 848 : index
    %swap3A_213 = tpu.vector_load %arg9[%swap3A_212] {strides = array<i32>} : memref<1024xf32, #tpu.memory_space<vmem>>, vector<16xf32>,
    tpu.vector_store %arg9[%swap3A_212], %broadcast_in_dim3A_211 {strides = array<i32>} : memref<1024xf32, #tpu.memory_space<vmem>>, vector<16xf32>,
    %broadcast_in_dim3A_214 = arith.constant 0.000000e+00 : f32
    %broadcast_in_dim3A_215 = vector.broadcast %broadcast_in_dim3A_214 : f32 to vector<16xf32>
    %swap3A_216 = arith.constant 864 : index
    %swap3A_217 = tpu.vector_load %arg9[%swap3A_216] {strides = array<i32>} : memref<1024xf32, #tpu.memory_space<vmem>>, vector<16xf32>,
    tpu.vector_store %arg9[%swap3A_216], %broadcast_in_dim3A_215 {strides = array<i32>} : memref<1024xf32, #tpu.memory_space<vmem>>, vector<16xf32>,
    %broadcast_in_dim3A_218 = arith.constant 0.000000e+00 : f32
    %broadcast_in_dim3A_219 = vector.broadcast %broadcast_in_dim3A_218 : f32 to vector<16xf32>
    %swap3A_220 = arith.constant 880 : index
    %swap3A_221 = tpu.vector_load %arg9[%swap3A_220] {strides = array<i32>} : memref<1024xf32, #tpu.memory_space<vmem>>, vector<16xf32>,
    tpu.vector_store %arg9[%swap3A_220], %broadcast_in_dim3A_219 {strides = array<i32>} : memref<1024xf32, #tpu.memory_space<vmem>>, vector<16xf32>,
    %broadcast_in_dim3A_222 = arith.constant 0.000000e+00 : f32
    %broadcast_in_dim3A_223 = vector.broadcast %broadcast_in_dim3A_222 : f32 to vector<16xf32>
    %swap3A_224 = arith.constant 896 : index
    %swap3A_225 = tpu.vector_load %arg9[%swap3A_224] {strides = array<i32>} : memref<1024xf32, #tpu.memory_space<vmem>>, vector<16xf32>,
    tpu.vector_store %arg9[%swap3A_224], %broadcast_in_dim3A_223 {strides = array<i32>} : memref<1024xf32, #tpu.memory_space<vmem>>, vector<16xf32>,
    %broadcast_in_dim3A_226 = arith.constant 0.000000e+00 : f32
    %broadcast_in_dim3A_227 = vector.broadcast %broadcast_in_dim3A_226 : f32 to vector<16xf32>
    %swap3A_228 = arith.constant 912 : index
    %swap3A_229 = tpu.vector_load %arg9[%swap3A_228] {strides = array<i32>} : memref<1024xf32, #tpu.memory_space<vmem>>, vector<16xf32>,
    tpu.vector_store %arg9[%swap3A_228], %broadcast_in_dim3A_227 {strides = array<i32>} : memref<1024xf32, #tpu.memory_space<vmem>>, vector<16xf32>,
    %broadcast_in_dim3A_230 = arith.constant 0.000000e+00 : f32
    %broadcast_in_dim3A_231 = vector.broadcast %broadcast_in_dim3A_230 : f32 to vector<16xf32>
    %swap3A_232 = arith.constant 928 : index
    %swap3A_233 = tpu.vector_load %arg9[%swap3A_232] {strides = array<i32>} : memref<1024xf32, #tpu.memory_space<vmem>>, vector<16xf32>,
    tpu.vector_store %arg9[%swap3A_232], %broadcast_in_dim3A_231 {strides = array<i32>} : memref<1024xf32, #tpu.memory_space<vmem>>, vector<16xf32>,
    %broadcast_in_dim3A_234 = arith.constant 0.000000e+00 : f32
    %broadcast_in_dim3A_235 = vector.broadcast %broadcast_in_dim3A_234 : f32 to vector<16xf32>
    %swap3A_236 = arith.constant 944 : index
    %swap3A_237 = tpu.vector_load %arg9[%swap3A_236] {strides = array<i32>} : memref<1024xf32, #tpu.memory_space<vmem>>, vector<16xf32>,
    tpu.vector_store %arg9[%swap3A_236], %broadcast_in_dim3A_235 {strides = array<i32>} : memref<1024xf32, #tpu.memory_space<vmem>>, vector<16xf32>,
    %broadcast_in_dim3A_238 = arith.constant 0.000000e+00 : f32
    %broadcast_in_dim3A_239 = vector.broadcast %broadcast_in_dim3A_238 : f32 to vector<16xf32>
    %swap3A_240 = arith.constant 960 : index
    %swap3A_241 = tpu.vector_load %arg9[%swap3A_240] {strides = array<i32>} : memref<1024xf32, #tpu.memory_space<vmem>>, vector<16xf32>,
    tpu.vector_store %arg9[%swap3A_240], %broadcast_in_dim3A_239 {strides = array<i32>} : memref<1024xf32, #tpu.memory_space<vmem>>, vector<16xf32>,
    %broadcast_in_dim3A_242 = arith.constant 0.000000e+00 : f32
    %broadcast_in_dim3A_243 = vector.broadcast %broadcast_in_dim3A_242 : f32 to vector<16xf32>
    %swap3A_244 = arith.constant 976 : index
    %swap3A_245 = tpu.vector_load %arg9[%swap3A_244] {strides = array<i32>} : memref<1024xf32, #tpu.memory_space<vmem>>, vector<16xf32>,
    tpu.vector_store %arg9[%swap3A_244], %broadcast_in_dim3A_243 {strides = array<i32>} : memref<1024xf32, #tpu.memory_space<vmem>>, vector<16xf32>,
    %broadcast_in_dim3A_246 = arith.constant 0.000000e+00 : f32
    %broadcast_in_dim3A_247 = vector.broadcast %broadcast_in_dim3A_246 : f32 to vector<16xf32>
    %swap3A_248 = arith.constant 992 : index
    %swap3A_249 = tpu.vector_load %arg9[%swap3A_248] {strides = array<i32>} : memref<1024xf32, #tpu.memory_space<vmem>>, vector<16xf32>,
    tpu.vector_store %arg9[%swap3A_248], %broadcast_in_dim3A_247 {strides = array<i32>} : memref<1024xf32, #tpu.memory_space<vmem>>, vector<16xf32>,
    %broadcast_in_dim3A_250 = arith.constant 0.000000e+00 : f32
    %broadcast_in_dim3A_251 = vector.broadcast %broadcast_in_dim3A_250 : f32 to vector<16xf32>
    %swap3A_252 = arith.constant 1008 : index
    %swap3A_253 = tpu.vector_load %arg9[%swap3A_252] {strides = array<i32>} : memref<1024xf32, #tpu.memory_space<vmem>>, vector<16xf32>,
    tpu.vector_store %arg9[%swap3A_252], %broadcast_in_dim3A_251 {strides = array<i32>} : memref<1024xf32, #tpu.memory_space<vmem>>, vector<16xf32>,
    %lt3A = arith.constant 15 : i32
    %lt3A_254 = arith.cmpi slt, %arg1, %lt3A : i32
    %convert_element_type3A = arith.extui %lt3A_254 : i1 to i32
    %cond3A = arith.constant 0 : i32
    %cond3A_255 = arith.cmpi ne, %convert_element_type3A, %cond3A : i32
    scf.if %cond3A_255 {
      %mul3A_266 = arith.constant 6256 : i32
      %mul3A_267 = arith.muli %arg1, %mul3A_266 : i32
      %dma_start3A = arith.constant 0 : i32
      %dma_start3A_268 = tpu.memref_slice %arg7[%dma_start3A] : memref<6256xi32, #tpu.memory_space<vmem>> -> memref<6256xi32, #tpu.memory_space<vmem>>
      %dma_start3A_269 = tpu.memref_slice %arg3[%mul3A_267] : memref<100000xi32, #tpu.memory_space<hbm>> -> memref<6256xi32, #tpu.memory_space<hbm>>
      %dma_start3A_270 = arith.constant 0 : i32
      %dma_start3A_271 = tpu.memref_slice %arg7[%dma_start3A_270] : memref<6256xi32, #tpu.memory_space<vmem>> -> memref<6256xi32, #tpu.memory_space<vmem>>
      %dma_start3A_272 = tpu.memref_slice %arg3[%mul3A_267] : memref<100000xi32, #tpu.memory_space<hbm>> -> memref<6256xi32, #tpu.memory_space<hbm>>
      tpu.enqueue_dma source(%dma_start3A_272 : memref<6256xi32, #tpu.memory_space<hbm>>) target(%dma_start3A_271 : memref<6256xi32, #tpu.memory_space<vmem>>) target_semaphore(%arg13 : memref<!tpu.dma_semaphore, #tpu.memory_space<semaphore_mem>>)
      %dma_start3A_273 = arith.constant 0 : i32
      %dma_start3A_274 = tpu.memref_slice %arg8[%dma_start3A_273] : memref<6256xf32, #tpu.memory_space<vmem>> -> memref<6256xf32, #tpu.memory_space<vmem>>
      %dma_start3A_275 = tpu.memref_slice %arg2[%mul3A_267] : memref<100000xf32, #tpu.memory_space<hbm>> -> memref<6256xf32, #tpu.memory_space<hbm>>
      %dma_start3A_276 = arith.constant 0 : i32
      %dma_start3A_277 = tpu.memref_slice %arg8[%dma_start3A_276] : memref<6256xf32, #tpu.memory_space<vmem>> -> memref<6256xf32, #tpu.memory_space<vmem>>
      %dma_start3A_278 = tpu.memref_slice %arg2[%mul3A_267] : memref<100000xf32, #tpu.memory_space<hbm>> -> memref<6256xf32, #tpu.memory_space<hbm>>
      tpu.enqueue_dma source(%dma_start3A_278 : memref<6256xf32, #tpu.memory_space<hbm>>) target(%dma_start3A_277 : memref<6256xf32, #tpu.memory_space<vmem>>) target_semaphore(%arg13 : memref<!tpu.dma_semaphore, #tpu.memory_space<semaphore_mem>>)
      %dma_start3A_279 = arith.constant 0 : i32
      %dma_start3A_280 = tpu.memref_slice %arg12[%dma_start3A_279] : memref<16xf32, #tpu.memory_space<vmem>> -> memref<1xf32, #tpu.memory_space<vmem>>
      %dma_start3A_281 = arith.constant 0 : i32
      %dma_start3A_282 = tpu.memref_slice %arg12[%dma_start3A_281] : memref<16xf32, #tpu.memory_space<vmem>> -> memref<1xf32, #tpu.memory_space<vmem>>
      tpu.enqueue_dma source(%arg4 : memref<1xf32, #tpu.memory_space<hbm>>) target(%dma_start3A_282 : memref<1xf32, #tpu.memory_space<vmem>>) target_semaphore(%arg13 : memref<!tpu.dma_semaphore, #tpu.memory_space<semaphore_mem>>)
      %dma_start3A_283 = arith.constant 8 : i32
      %dma_start3A_284 = tpu.memref_slice %arg12[%dma_start3A_283] : memref<16xf32, #tpu.memory_space<vmem>> -> memref<1xf32, #tpu.memory_space<vmem>>
      %dma_start3A_285 = arith.constant 8 : i32
      %dma_start3A_286 = tpu.memref_slice %arg12[%dma_start3A_285] : memref<16xf32, #tpu.memory_space<vmem>> -> memref<1xf32, #tpu.memory_space<vmem>>
      tpu.enqueue_dma source(%arg5 : memref<1xf32, #tpu.memory_space<hbm>>) target(%dma_start3A_286 : memref<1xf32, #tpu.memory_space<vmem>>) target_semaphore(%arg13 : memref<!tpu.dma_semaphore, #tpu.memory_space<semaphore_mem>>)
      %dma_wait3A = arith.constant 0 : i32
      %dma_wait3A_287 = tpu.memref_slice %arg7[%dma_wait3A] : memref<6256xi32, #tpu.memory_space<vmem>> -> memref<6256xi32, #tpu.memory_space<vmem>>
      %dma_wait3A_288 = tpu.memref_slice %arg3[%mul3A_267] : memref<100000xi32, #tpu.memory_space<hbm>> -> memref<6256xi32, #tpu.memory_space<hbm>>
      %dma_wait3A_289 = arith.constant 0 : i32
      %dma_wait3A_290 = tpu.memref_slice %arg7[%dma_wait3A_289] : memref<6256xi32, #tpu.memory_space<vmem>> -> memref<6256xi32, #tpu.memory_space<vmem>>
      %dma_wait3A_291 = tpu.memref_slice %arg3[%mul3A_267] : memref<100000xi32, #tpu.memory_space<hbm>> -> memref<6256xi32, #tpu.memory_space<hbm>>
      tpu.wait_dma2 semaphore(%arg13 : memref<!tpu.dma_semaphore, #tpu.memory_space<semaphore_mem>>) src(%dma_wait3A_291 : memref<6256xi32, #tpu.memory_space<hbm>>) dst(%dma_wait3A_290 : memref<6256xi32, #tpu.memory_space<vmem>>)
      %dma_wait3A_292 = arith.constant 0 : i32
      %dma_wait3A_293 = tpu.memref_slice %arg8[%dma_wait3A_292] : memref<6256xf32, #tpu.memory_space<vmem>> -> memref<6256xf32, #tpu.memory_space<vmem>>
      %dma_wait3A_294 = tpu.memref_slice %arg2[%mul3A_267] : memref<100000xf32, #tpu.memory_space<hbm>> -> memref<6256xf32, #tpu.memory_space<hbm>>
      %dma_wait3A_295 = arith.constant 0 : i32
      %dma_wait3A_296 = tpu.memref_slice %arg8[%dma_wait3A_295] : memref<6256xf32, #tpu.memory_space<vmem>> -> memref<6256xf32, #tpu.memory_space<vmem>>
      %dma_wait3A_297 = tpu.memref_slice %arg2[%mul3A_267] : memref<100000xf32, #tpu.memory_space<hbm>> -> memref<6256xf32, #tpu.memory_space<hbm>>
      tpu.wait_dma2 semaphore(%arg13 : memref<!tpu.dma_semaphore, #tpu.memory_space<semaphore_mem>>) src(%dma_wait3A_297 : memref<6256xf32, #tpu.memory_space<hbm>>) dst(%dma_wait3A_296 : memref<6256xf32, #tpu.memory_space<vmem>>)
      %dma_wait3A_298 = arith.constant 0 : i32
      %dma_wait3A_299 = tpu.memref_slice %arg12[%dma_wait3A_298] : memref<16xf32, #tpu.memory_space<vmem>> -> memref<1xf32, #tpu.memory_space<vmem>>
      %dma_wait3A_300 = arith.constant 0 : i32
      %dma_wait3A_301 = tpu.memref_slice %arg12[%dma_wait3A_300] : memref<16xf32, #tpu.memory_space<vmem>> -> memref<1xf32, #tpu.memory_space<vmem>>
      tpu.wait_dma2 semaphore(%arg13 : memref<!tpu.dma_semaphore, #tpu.memory_space<semaphore_mem>>) src(%arg4 : memref<1xf32, #tpu.memory_space<hbm>>) dst(%dma_wait3A_301 : memref<1xf32, #tpu.memory_space<vmem>>)
      %dma_wait3A_302 = arith.constant 8 : i32
      %dma_wait3A_303 = tpu.memref_slice %arg12[%dma_wait3A_302] : memref<16xf32, #tpu.memory_space<vmem>> -> memref<1xf32, #tpu.memory_space<vmem>>
      %dma_wait3A_304 = arith.constant 8 : i32
      %dma_wait3A_305 = tpu.memref_slice %arg12[%dma_wait3A_304] : memref<16xf32, #tpu.memory_space<vmem>> -> memref<1xf32, #tpu.memory_space<vmem>>
      tpu.wait_dma2 semaphore(%arg13 : memref<!tpu.dma_semaphore, #tpu.memory_space<semaphore_mem>>) src(%arg5 : memref<1xf32, #tpu.memory_space<hbm>>) dst(%dma_wait3A_305 : memref<1xf32, #tpu.memory_space<vmem>>)
      %iota3A = tpu.iota {dimensions = array<i32: 0>} : vector<16xi32>
      %mul3A_306 = arith.constant 391 : i32
      %mul3A_307 = vector.broadcast %mul3A_306 : i32 to vector<16xi32>
      %mul3A_308 = arith.muli %iota3A, %mul3A_307 : vector<16xi32>
      %parallel_loop3A = arith.constant 0 : i32
      %parallel_loop3A_309 = arith.constant 391 : i32
      %parallel_loop3A_310 = arith.constant 1 : i32
      %parallel_loop3A_311 = scf.for %parallel_loop3A_312 = %parallel_loop3A to %parallel_loop3A_309 step %parallel_loop3A_310 iter_args(%parallel_loop3A_313 = %mul3A_308) -> (vector<16xi32>)  : i32 {
        %parallel_loop3A_314 = tpu.vector_load_idx %arg7[%parallel_loop3A_313] : memref<6256xi32, #tpu.memory_space<vmem>>[vector<16xi32>], vector<16xi32>,
        %parallel_loop3A_315 = tpu.vector_load_idx %arg8[%parallel_loop3A_313] : memref<6256xf32, #tpu.memory_space<vmem>>[vector<16xi32>], vector<16xf32>,
        tpu.vector_store_idx %arg9[%parallel_loop3A_314], %parallel_loop3A_315 {add = true} : memref<1024xf32, #tpu.memory_space<vmem>>[vector<16xi32>], vector<16xf32>,
        %parallel_loop3A_316 = arith.constant 1 : i32
        %parallel_loop3A_317 = vector.broadcast %parallel_loop3A_316 : i32 to vector<16xi32>
        %parallel_loop3A_318 = arith.addi %parallel_loop3A_313, %parallel_loop3A_317 : vector<16xi32>
        scf.yield %parallel_loop3A_318 : vector<16xi32>
      } {sc.loop_unroll_factor = 8 : i64, sc.parallel_access}
    } else {
    }
    %eq3A = arith.constant 15 : i32
    %eq3A_256 = arith.cmpi eq, %arg1, %eq3A : i32
    %convert_element_type3A_257 = arith.extui %eq3A_256 : i1 to i32
    %cond3A_258 = arith.constant 0 : i32
    %cond3A_259 = arith.cmpi ne, %convert_element_type3A_257, %cond3A_258 : i32
    scf.if %cond3A_259 {
      %dma_start3A = arith.constant 0 : i32
      %dma_start3A_266 = tpu.memref_slice %arg7[%dma_start3A] : memref<6256xi32, #tpu.memory_space<vmem>> -> memref<6160xi32, #tpu.memory_space<vmem>>
      %dma_start3A_267 = arith.constant 93840 : i32
      %dma_start3A_268 = tpu.memref_slice %arg3[%dma_start3A_267] : memref<100000xi32, #tpu.memory_space<hbm>> -> memref<6160xi32, #tpu.memory_space<hbm>>
      %dma_start3A_269 = arith.constant 0 : i32
      %dma_start3A_270 = tpu.memref_slice %arg7[%dma_start3A_269] : memref<6256xi32, #tpu.memory_space<vmem>> -> memref<6160xi32, #tpu.memory_space<vmem>>
      %dma_start3A_271 = arith.constant 93840 : i32
      %dma_start3A_272 = tpu.memref_slice %arg3[%dma_start3A_271] : memref<100000xi32, #tpu.memory_space<hbm>> -> memref<6160xi32, #tpu.memory_space<hbm>>
      tpu.enqueue_dma source(%dma_start3A_272 : memref<6160xi32, #tpu.memory_space<hbm>>) target(%dma_start3A_270 : memref<6160xi32, #tpu.memory_space<vmem>>) target_semaphore(%arg13 : memref<!tpu.dma_semaphore, #tpu.memory_space<semaphore_mem>>)
      %dma_start3A_273 = arith.constant 0 : i32
      %dma_start3A_274 = tpu.memref_slice %arg8[%dma_start3A_273] : memref<6256xf32, #tpu.memory_space<vmem>> -> memref<6160xf32, #tpu.memory_space<vmem>>
      %dma_start3A_275 = arith.constant 93840 : i32
      %dma_start3A_276 = tpu.memref_slice %arg2[%dma_start3A_275] : memref<100000xf32, #tpu.memory_space<hbm>> -> memref<6160xf32, #tpu.memory_space<hbm>>
      %dma_start3A_277 = arith.constant 0 : i32
      %dma_start3A_278 = tpu.memref_slice %arg8[%dma_start3A_277] : memref<6256xf32, #tpu.memory_space<vmem>> -> memref<6160xf32, #tpu.memory_space<vmem>>
      %dma_start3A_279 = arith.constant 93840 : i32
      %dma_start3A_280 = tpu.memref_slice %arg2[%dma_start3A_279] : memref<100000xf32, #tpu.memory_space<hbm>> -> memref<6160xf32, #tpu.memory_space<hbm>>
      tpu.enqueue_dma source(%dma_start3A_280 : memref<6160xf32, #tpu.memory_space<hbm>>) target(%dma_start3A_278 : memref<6160xf32, #tpu.memory_space<vmem>>) target_semaphore(%arg13 : memref<!tpu.dma_semaphore, #tpu.memory_space<semaphore_mem>>)
      %dma_start3A_281 = arith.constant 0 : i32
      %dma_start3A_282 = tpu.memref_slice %arg12[%dma_start3A_281] : memref<16xf32, #tpu.memory_space<vmem>> -> memref<1xf32, #tpu.memory_space<vmem>>
      %dma_start3A_283 = arith.constant 0 : i32
      %dma_start3A_284 = tpu.memref_slice %arg12[%dma_start3A_283] : memref<16xf32, #tpu.memory_space<vmem>> -> memref<1xf32, #tpu.memory_space<vmem>>
      tpu.enqueue_dma source(%arg4 : memref<1xf32, #tpu.memory_space<hbm>>) target(%dma_start3A_284 : memref<1xf32, #tpu.memory_space<vmem>>) target_semaphore(%arg13 : memref<!tpu.dma_semaphore, #tpu.memory_space<semaphore_mem>>)
      %dma_start3A_285 = arith.constant 8 : i32
      %dma_start3A_286 = tpu.memref_slice %arg12[%dma_start3A_285] : memref<16xf32, #tpu.memory_space<vmem>> -> memref<1xf32, #tpu.memory_space<vmem>>
      %dma_start3A_287 = arith.constant 8 : i32
      %dma_start3A_288 = tpu.memref_slice %arg12[%dma_start3A_287] : memref<16xf32, #tpu.memory_space<vmem>> -> memref<1xf32, #tpu.memory_space<vmem>>
      tpu.enqueue_dma source(%arg5 : memref<1xf32, #tpu.memory_space<hbm>>) target(%dma_start3A_288 : memref<1xf32, #tpu.memory_space<vmem>>) target_semaphore(%arg13 : memref<!tpu.dma_semaphore, #tpu.memory_space<semaphore_mem>>)
      %dma_wait3A = arith.constant 0 : i32
      %dma_wait3A_289 = tpu.memref_slice %arg7[%dma_wait3A] : memref<6256xi32, #tpu.memory_space<vmem>> -> memref<6160xi32, #tpu.memory_space<vmem>>
      %dma_wait3A_290 = arith.constant 93840 : i32
      %dma_wait3A_291 = tpu.memref_slice %arg3[%dma_wait3A_290] : memref<100000xi32, #tpu.memory_space<hbm>> -> memref<6160xi32, #tpu.memory_space<hbm>>
      %dma_wait3A_292 = arith.constant 0 : i32
      %dma_wait3A_293 = tpu.memref_slice %arg7[%dma_wait3A_292] : memref<6256xi32, #tpu.memory_space<vmem>> -> memref<6160xi32, #tpu.memory_space<vmem>>
      %dma_wait3A_294 = arith.constant 93840 : i32
      %dma_wait3A_295 = tpu.memref_slice %arg3[%dma_wait3A_294] : memref<100000xi32, #tpu.memory_space<hbm>> -> memref<6160xi32, #tpu.memory_space<hbm>>
      tpu.wait_dma2 semaphore(%arg13 : memref<!tpu.dma_semaphore, #tpu.memory_space<semaphore_mem>>) src(%dma_wait3A_295 : memref<6160xi32, #tpu.memory_space<hbm>>) dst(%dma_wait3A_293 : memref<6160xi32, #tpu.memory_space<vmem>>)
      %dma_wait3A_296 = arith.constant 0 : i32
      %dma_wait3A_297 = tpu.memref_slice %arg8[%dma_wait3A_296] : memref<6256xf32, #tpu.memory_space<vmem>> -> memref<6160xf32, #tpu.memory_space<vmem>>
      %dma_wait3A_298 = arith.constant 93840 : i32
      %dma_wait3A_299 = tpu.memref_slice %arg2[%dma_wait3A_298] : memref<100000xf32, #tpu.memory_space<hbm>> -> memref<6160xf32, #tpu.memory_space<hbm>>
      %dma_wait3A_300 = arith.constant 0 : i32
      %dma_wait3A_301 = tpu.memref_slice %arg8[%dma_wait3A_300] : memref<6256xf32, #tpu.memory_space<vmem>> -> memref<6160xf32, #tpu.memory_space<vmem>>
      %dma_wait3A_302 = arith.constant 93840 : i32
      %dma_wait3A_303 = tpu.memref_slice %arg2[%dma_wait3A_302] : memref<100000xf32, #tpu.memory_space<hbm>> -> memref<6160xf32, #tpu.memory_space<hbm>>
      tpu.wait_dma2 semaphore(%arg13 : memref<!tpu.dma_semaphore, #tpu.memory_space<semaphore_mem>>) src(%dma_wait3A_303 : memref<6160xf32, #tpu.memory_space<hbm>>) dst(%dma_wait3A_301 : memref<6160xf32, #tpu.memory_space<vmem>>)
      %dma_wait3A_304 = arith.constant 0 : i32
      %dma_wait3A_305 = tpu.memref_slice %arg12[%dma_wait3A_304] : memref<16xf32, #tpu.memory_space<vmem>> -> memref<1xf32, #tpu.memory_space<vmem>>
      %dma_wait3A_306 = arith.constant 0 : i32
      %dma_wait3A_307 = tpu.memref_slice %arg12[%dma_wait3A_306] : memref<16xf32, #tpu.memory_space<vmem>> -> memref<1xf32, #tpu.memory_space<vmem>>
      tpu.wait_dma2 semaphore(%arg13 : memref<!tpu.dma_semaphore, #tpu.memory_space<semaphore_mem>>) src(%arg4 : memref<1xf32, #tpu.memory_space<hbm>>) dst(%dma_wait3A_307 : memref<1xf32, #tpu.memory_space<vmem>>)
      %dma_wait3A_308 = arith.constant 8 : i32
      %dma_wait3A_309 = tpu.memref_slice %arg12[%dma_wait3A_308] : memref<16xf32, #tpu.memory_space<vmem>> -> memref<1xf32, #tpu.memory_space<vmem>>
      %dma_wait3A_310 = arith.constant 8 : i32
      %dma_wait3A_311 = tpu.memref_slice %arg12[%dma_wait3A_310] : memref<16xf32, #tpu.memory_space<vmem>> -> memref<1xf32, #tpu.memory_space<vmem>>
      tpu.wait_dma2 semaphore(%arg13 : memref<!tpu.dma_semaphore, #tpu.memory_space<semaphore_mem>>) src(%arg5 : memref<1xf32, #tpu.memory_space<hbm>>) dst(%dma_wait3A_311 : memref<1xf32, #tpu.memory_space<vmem>>)
      %iota3A = tpu.iota {dimensions = array<i32: 0>} : vector<16xi32>
      %mul3A_312 = arith.constant 385 : i32
      %mul3A_313 = vector.broadcast %mul3A_312 : i32 to vector<16xi32>
      %mul3A_314 = arith.muli %iota3A, %mul3A_313 : vector<16xi32>
      %parallel_loop3A = arith.constant 0 : i32
      %parallel_loop3A_315 = arith.constant 385 : i32
      %parallel_loop3A_316 = arith.constant 1 : i32
      %parallel_loop3A_317 = scf.for %parallel_loop3A_318 = %parallel_loop3A to %parallel_loop3A_315 step %parallel_loop3A_316 iter_args(%parallel_loop3A_319 = %mul3A_314) -> (vector<16xi32>)  : i32 {
        %parallel_loop3A_320 = tpu.vector_load_idx %arg7[%parallel_loop3A_319] : memref<6256xi32, #tpu.memory_space<vmem>>[vector<16xi32>], vector<16xi32>,
        %parallel_loop3A_321 = tpu.vector_load_idx %arg8[%parallel_loop3A_319] : memref<6256xf32, #tpu.memory_space<vmem>>[vector<16xi32>], vector<16xf32>,
        tpu.vector_store_idx %arg9[%parallel_loop3A_320], %parallel_loop3A_321 {add = true} : memref<1024xf32, #tpu.memory_space<vmem>>[vector<16xi32>], vector<16xf32>,
        %parallel_loop3A_322 = arith.constant 1 : i32
        %parallel_loop3A_323 = vector.broadcast %parallel_loop3A_322 : i32 to vector<16xi32>
        %parallel_loop3A_324 = arith.addi %parallel_loop3A_319, %parallel_loop3A_323 : vector<16xi32>
        scf.yield %parallel_loop3A_324 : vector<16xi32>
      } {sc.loop_unroll_factor = 8 : i64, sc.parallel_access}
    } else {
    }
    %mul3A = arith.constant 1024 : i32
    %mul3A_260 = arith.muli %arg1, %mul3A : i32
    "tpu.region"() ({
      %run_scoped3A = tpu.sem_alloc : memref<!tpu.dma_semaphore, #tpu.memory_space<semaphore_mem>>
      %dma_start3A = tpu.memref_slice %arg14[%mul3A_260] : memref<16384xf32, #tpu.memory_space<vmem_shared>> -> memref<1024xf32, #tpu.memory_space<vmem_shared>>
      %dma_start3A_266 = tpu.memref_slice %arg14[%mul3A_260] : memref<16384xf32, #tpu.memory_space<vmem_shared>> -> memref<1024xf32, #tpu.memory_space<vmem_shared>>
      tpu.enqueue_dma source(%arg9 : memref<1024xf32, #tpu.memory_space<vmem>>) target(%dma_start3A_266 : memref<1024xf32, #tpu.memory_space<vmem_shared>>) target_semaphore(%run_scoped3A : memref<!tpu.dma_semaphore, #tpu.memory_space<semaphore_mem>>)
      %dma_wait3A = tpu.memref_slice %arg14[%mul3A_260] : memref<16384xf32, #tpu.memory_space<vmem_shared>> -> memref<1024xf32, #tpu.memory_space<vmem_shared>>
      %dma_wait3A_267 = tpu.memref_slice %arg14[%mul3A_260] : memref<16384xf32, #tpu.memory_space<vmem_shared>> -> memref<1024xf32, #tpu.memory_space<vmem_shared>>
      tpu.wait_dma2 semaphore(%run_scoped3A : memref<!tpu.dma_semaphore, #tpu.memory_space<semaphore_mem>>) src(%arg9 : memref<1024xf32, #tpu.memory_space<vmem>>) dst(%dma_wait3A_267 : memref<1024xf32, #tpu.memory_space<vmem_shared>>)
      tpu.yield
    }) : () -> ()
    %barrier3A = arith.constant 0 : index
    tpu.barrier barrier_id(%barrier3A)
    %lt3A_261 = arith.constant 8 : i32
    %lt3A_262 = arith.cmpi slt, %arg1, %lt3A_261 : i32
    %convert_element_type3A_263 = arith.extui %lt3A_262 : i1 to i32
    %cond3A_264 = arith.constant 0 : i32
    %cond3A_265 = arith.cmpi ne, %convert_element_type3A_263, %cond3A_264 : i32
    scf.if %cond3A_265 {
      %mul3A_266 = arith.constant 128 : i32
      %mul3A_267 = arith.muli %arg1, %mul3A_266 : i32
      %add3A = arith.constant 0 : i32
      %add3A_268 = arith.addi %add3A, %mul3A_267 : i32
      %dma_start3A = arith.constant 0 : i32
      %dma_start3A_269 = tpu.memref_slice %arg10[%dma_start3A] : memref<2048xf32, #tpu.memory_space<vmem>> -> memref<128xf32, #tpu.memory_space<vmem>>
      %dma_start3A_270 = tpu.memref_slice %arg14[%add3A_268] : memref<16384xf32, #tpu.memory_space<vmem_shared>> -> memref<128xf32, #tpu.memory_space<vmem_shared>>
      %dma_start3A_271 = arith.constant 0 : i32
      %dma_start3A_272 = tpu.memref_slice %arg10[%dma_start3A_271] : memref<2048xf32, #tpu.memory_space<vmem>> -> memref<128xf32, #tpu.memory_space<vmem>>
      %dma_start3A_273 = tpu.memref_slice %arg14[%add3A_268] : memref<16384xf32, #tpu.memory_space<vmem_shared>> -> memref<128xf32, #tpu.memory_space<vmem_shared>>
      tpu.enqueue_dma source(%dma_start3A_273 : memref<128xf32, #tpu.memory_space<vmem_shared>>) target(%dma_start3A_272 : memref<128xf32, #tpu.memory_space<vmem>>) target_semaphore(%arg13 : memref<!tpu.dma_semaphore, #tpu.memory_space<semaphore_mem>>)
      %add3A_274 = arith.constant 1024 : i32
      %add3A_275 = arith.addi %add3A_274, %mul3A_267 : i32
      %dma_start3A_276 = arith.constant 128 : i32
      %dma_start3A_277 = tpu.memref_slice %arg10[%dma_start3A_276] : memref<2048xf32, #tpu.memory_space<vmem>> -> memref<128xf32, #tpu.memory_space<vmem>>
      %dma_start3A_278 = tpu.memref_slice %arg14[%add3A_275] : memref<16384xf32, #tpu.memory_space<vmem_shared>> -> memref<128xf32, #tpu.memory_space<vmem_shared>>
      %dma_start3A_279 = arith.constant 128 : i32
      %dma_start3A_280 = tpu.memref_slice %arg10[%dma_start3A_279] : memref<2048xf32, #tpu.memory_space<vmem>> -> memref<128xf32, #tpu.memory_space<vmem>>
      %dma_start3A_281 = tpu.memref_slice %arg14[%add3A_275] : memref<16384xf32, #tpu.memory_space<vmem_shared>> -> memref<128xf32, #tpu.memory_space<vmem_shared>>
      tpu.enqueue_dma source(%dma_start3A_281 : memref<128xf32, #tpu.memory_space<vmem_shared>>) target(%dma_start3A_280 : memref<128xf32, #tpu.memory_space<vmem>>) target_semaphore(%arg13 : memref<!tpu.dma_semaphore, #tpu.memory_space<semaphore_mem>>)
      %add3A_282 = arith.constant 2048 : i32
      %add3A_283 = arith.addi %add3A_282, %mul3A_267 : i32
      %dma_start3A_284 = arith.constant 256 : i32
      %dma_start3A_285 = tpu.memref_slice %arg10[%dma_start3A_284] : memref<2048xf32, #tpu.memory_space<vmem>> -> memref<128xf32, #tpu.memory_space<vmem>>
      %dma_start3A_286 = tpu.memref_slice %arg14[%add3A_283] : memref<16384xf32, #tpu.memory_space<vmem_shared>> -> memref<128xf32, #tpu.memory_space<vmem_shared>>
      %dma_start3A_287 = arith.constant 256 : i32
      %dma_start3A_288 = tpu.memref_slice %arg10[%dma_start3A_287] : memref<2048xf32, #tpu.memory_space<vmem>> -> memref<128xf32, #tpu.memory_space<vmem>>
      %dma_start3A_289 = tpu.memref_slice %arg14[%add3A_283] : memref<16384xf32, #tpu.memory_space<vmem_shared>> -> memref<128xf32, #tpu.memory_space<vmem_shared>>
      tpu.enqueue_dma source(%dma_start3A_289 : memref<128xf32, #tpu.memory_space<vmem_shared>>) target(%dma_start3A_288 : memref<128xf32, #tpu.memory_space<vmem>>) target_semaphore(%arg13 : memref<!tpu.dma_semaphore, #tpu.memory_space<semaphore_mem>>)
      %add3A_290 = arith.constant 3072 : i32
      %add3A_291 = arith.addi %add3A_290, %mul3A_267 : i32
      %dma_start3A_292 = arith.constant 384 : i32
      %dma_start3A_293 = tpu.memref_slice %arg10[%dma_start3A_292] : memref<2048xf32, #tpu.memory_space<vmem>> -> memref<128xf32, #tpu.memory_space<vmem>>
      %dma_start3A_294 = tpu.memref_slice %arg14[%add3A_291] : memref<16384xf32, #tpu.memory_space<vmem_shared>> -> memref<128xf32, #tpu.memory_space<vmem_shared>>
      %dma_start3A_295 = arith.constant 384 : i32
      %dma_start3A_296 = tpu.memref_slice %arg10[%dma_start3A_295] : memref<2048xf32, #tpu.memory_space<vmem>> -> memref<128xf32, #tpu.memory_space<vmem>>
      %dma_start3A_297 = tpu.memref_slice %arg14[%add3A_291] : memref<16384xf32, #tpu.memory_space<vmem_shared>> -> memref<128xf32, #tpu.memory_space<vmem_shared>>
      tpu.enqueue_dma source(%dma_start3A_297 : memref<128xf32, #tpu.memory_space<vmem_shared>>) target(%dma_start3A_296 : memref<128xf32, #tpu.memory_space<vmem>>) target_semaphore(%arg13 : memref<!tpu.dma_semaphore, #tpu.memory_space<semaphore_mem>>)
      %add3A_298 = arith.constant 4096 : i32
      %add3A_299 = arith.addi %add3A_298, %mul3A_267 : i32
      %dma_start3A_300 = arith.constant 512 : i32
      %dma_start3A_301 = tpu.memref_slice %arg10[%dma_start3A_300] : memref<2048xf32, #tpu.memory_space<vmem>> -> memref<128xf32, #tpu.memory_space<vmem>>
      %dma_start3A_302 = tpu.memref_slice %arg14[%add3A_299] : memref<16384xf32, #tpu.memory_space<vmem_shared>> -> memref<128xf32, #tpu.memory_space<vmem_shared>>
      %dma_start3A_303 = arith.constant 512 : i32
      %dma_start3A_304 = tpu.memref_slice %arg10[%dma_start3A_303] : memref<2048xf32, #tpu.memory_space<vmem>> -> memref<128xf32, #tpu.memory_space<vmem>>
      %dma_start3A_305 = tpu.memref_slice %arg14[%add3A_299] : memref<16384xf32, #tpu.memory_space<vmem_shared>> -> memref<128xf32, #tpu.memory_space<vmem_shared>>
      tpu.enqueue_dma source(%dma_start3A_305 : memref<128xf32, #tpu.memory_space<vmem_shared>>) target(%dma_start3A_304 : memref<128xf32, #tpu.memory_space<vmem>>) target_semaphore(%arg13 : memref<!tpu.dma_semaphore, #tpu.memory_space<semaphore_mem>>)
      %add3A_306 = arith.constant 5120 : i32
      %add3A_307 = arith.addi %add3A_306, %mul3A_267 : i32
      %dma_start3A_308 = arith.constant 640 : i32
      %dma_start3A_309 = tpu.memref_slice %arg10[%dma_start3A_308] : memref<2048xf32, #tpu.memory_space<vmem>> -> memref<128xf32, #tpu.memory_space<vmem>>
      %dma_start3A_310 = tpu.memref_slice %arg14[%add3A_307] : memref<16384xf32, #tpu.memory_space<vmem_shared>> -> memref<128xf32, #tpu.memory_space<vmem_shared>>
      %dma_start3A_311 = arith.constant 640 : i32
      %dma_start3A_312 = tpu.memref_slice %arg10[%dma_start3A_311] : memref<2048xf32, #tpu.memory_space<vmem>> -> memref<128xf32, #tpu.memory_space<vmem>>
      %dma_start3A_313 = tpu.memref_slice %arg14[%add3A_307] : memref<16384xf32, #tpu.memory_space<vmem_shared>> -> memref<128xf32, #tpu.memory_space<vmem_shared>>
      tpu.enqueue_dma source(%dma_start3A_313 : memref<128xf32, #tpu.memory_space<vmem_shared>>) target(%dma_start3A_312 : memref<128xf32, #tpu.memory_space<vmem>>) target_semaphore(%arg13 : memref<!tpu.dma_semaphore, #tpu.memory_space<semaphore_mem>>)
      %add3A_314 = arith.constant 6144 : i32
      %add3A_315 = arith.addi %add3A_314, %mul3A_267 : i32
      %dma_start3A_316 = arith.constant 768 : i32
      %dma_start3A_317 = tpu.memref_slice %arg10[%dma_start3A_316] : memref<2048xf32, #tpu.memory_space<vmem>> -> memref<128xf32, #tpu.memory_space<vmem>>
      %dma_start3A_318 = tpu.memref_slice %arg14[%add3A_315] : memref<16384xf32, #tpu.memory_space<vmem_shared>> -> memref<128xf32, #tpu.memory_space<vmem_shared>>
      %dma_start3A_319 = arith.constant 768 : i32
      %dma_start3A_320 = tpu.memref_slice %arg10[%dma_start3A_319] : memref<2048xf32, #tpu.memory_space<vmem>> -> memref<128xf32, #tpu.memory_space<vmem>>
      %dma_start3A_321 = tpu.memref_slice %arg14[%add3A_315] : memref<16384xf32, #tpu.memory_space<vmem_shared>> -> memref<128xf32, #tpu.memory_space<vmem_shared>>
      tpu.enqueue_dma source(%dma_start3A_321 : memref<128xf32, #tpu.memory_space<vmem_shared>>) target(%dma_start3A_320 : memref<128xf32, #tpu.memory_space<vmem>>) target_semaphore(%arg13 : memref<!tpu.dma_semaphore, #tpu.memory_space<semaphore_mem>>)
      %add3A_322 = arith.constant 7168 : i32
      %add3A_323 = arith.addi %add3A_322, %mul3A_267 : i32
      %dma_start3A_324 = arith.constant 896 : i32
      %dma_start3A_325 = tpu.memref_slice %arg10[%dma_start3A_324] : memref<2048xf32, #tpu.memory_space<vmem>> -> memref<128xf32, #tpu.memory_space<vmem>>
      %dma_start3A_326 = tpu.memref_slice %arg14[%add3A_323] : memref<16384xf32, #tpu.memory_space<vmem_shared>> -> memref<128xf32, #tpu.memory_space<vmem_shared>>
      %dma_start3A_327 = arith.constant 896 : i32
      %dma_start3A_328 = tpu.memref_slice %arg10[%dma_start3A_327] : memref<2048xf32, #tpu.memory_space<vmem>> -> memref<128xf32, #tpu.memory_space<vmem>>
      %dma_start3A_329 = tpu.memref_slice %arg14[%add3A_323] : memref<16384xf32, #tpu.memory_space<vmem_shared>> -> memref<128xf32, #tpu.memory_space<vmem_shared>>
      tpu.enqueue_dma source(%dma_start3A_329 : memref<128xf32, #tpu.memory_space<vmem_shared>>) target(%dma_start3A_328 : memref<128xf32, #tpu.memory_space<vmem>>) target_semaphore(%arg13 : memref<!tpu.dma_semaphore, #tpu.memory_space<semaphore_mem>>)
      %add3A_330 = arith.constant 8192 : i32
      %add3A_331 = arith.addi %add3A_330, %mul3A_267 : i32
      %dma_start3A_332 = arith.constant 1024 : i32
      %dma_start3A_333 = tpu.memref_slice %arg10[%dma_start3A_332] : memref<2048xf32, #tpu.memory_space<vmem>> -> memref<128xf32, #tpu.memory_space<vmem>>
      %dma_start3A_334 = tpu.memref_slice %arg14[%add3A_331] : memref<16384xf32, #tpu.memory_space<vmem_shared>> -> memref<128xf32, #tpu.memory_space<vmem_shared>>
      %dma_start3A_335 = arith.constant 1024 : i32
      %dma_start3A_336 = tpu.memref_slice %arg10[%dma_start3A_335] : memref<2048xf32, #tpu.memory_space<vmem>> -> memref<128xf32, #tpu.memory_space<vmem>>
      %dma_start3A_337 = tpu.memref_slice %arg14[%add3A_331] : memref<16384xf32, #tpu.memory_space<vmem_shared>> -> memref<128xf32, #tpu.memory_space<vmem_shared>>
      tpu.enqueue_dma source(%dma_start3A_337 : memref<128xf32, #tpu.memory_space<vmem_shared>>) target(%dma_start3A_336 : memref<128xf32, #tpu.memory_space<vmem>>) target_semaphore(%arg13 : memref<!tpu.dma_semaphore, #tpu.memory_space<semaphore_mem>>)
      %add3A_338 = arith.constant 9216 : i32
      %add3A_339 = arith.addi %add3A_338, %mul3A_267 : i32
      %dma_start3A_340 = arith.constant 1152 : i32
      %dma_start3A_341 = tpu.memref_slice %arg10[%dma_start3A_340] : memref<2048xf32, #tpu.memory_space<vmem>> -> memref<128xf32, #tpu.memory_space<vmem>>
      %dma_start3A_342 = tpu.memref_slice %arg14[%add3A_339] : memref<16384xf32, #tpu.memory_space<vmem_shared>> -> memref<128xf32, #tpu.memory_space<vmem_shared>>
      %dma_start3A_343 = arith.constant 1152 : i32
      %dma_start3A_344 = tpu.memref_slice %arg10[%dma_start3A_343] : memref<2048xf32, #tpu.memory_space<vmem>> -> memref<128xf32, #tpu.memory_space<vmem>>
      %dma_start3A_345 = tpu.memref_slice %arg14[%add3A_339] : memref<16384xf32, #tpu.memory_space<vmem_shared>> -> memref<128xf32, #tpu.memory_space<vmem_shared>>
      tpu.enqueue_dma source(%dma_start3A_345 : memref<128xf32, #tpu.memory_space<vmem_shared>>) target(%dma_start3A_344 : memref<128xf32, #tpu.memory_space<vmem>>) target_semaphore(%arg13 : memref<!tpu.dma_semaphore, #tpu.memory_space<semaphore_mem>>)
      %add3A_346 = arith.constant 10240 : i32
      %add3A_347 = arith.addi %add3A_346, %mul3A_267 : i32
      %dma_start3A_348 = arith.constant 1280 : i32
      %dma_start3A_349 = tpu.memref_slice %arg10[%dma_start3A_348] : memref<2048xf32, #tpu.memory_space<vmem>> -> memref<128xf32, #tpu.memory_space<vmem>>
      %dma_start3A_350 = tpu.memref_slice %arg14[%add3A_347] : memref<16384xf32, #tpu.memory_space<vmem_shared>> -> memref<128xf32, #tpu.memory_space<vmem_shared>>
      %dma_start3A_351 = arith.constant 1280 : i32
      %dma_start3A_352 = tpu.memref_slice %arg10[%dma_start3A_351] : memref<2048xf32, #tpu.memory_space<vmem>> -> memref<128xf32, #tpu.memory_space<vmem>>
      %dma_start3A_353 = tpu.memref_slice %arg14[%add3A_347] : memref<16384xf32, #tpu.memory_space<vmem_shared>> -> memref<128xf32, #tpu.memory_space<vmem_shared>>
      tpu.enqueue_dma source(%dma_start3A_353 : memref<128xf32, #tpu.memory_space<vmem_shared>>) target(%dma_start3A_352 : memref<128xf32, #tpu.memory_space<vmem>>) target_semaphore(%arg13 : memref<!tpu.dma_semaphore, #tpu.memory_space<semaphore_mem>>)
      %add3A_354 = arith.constant 11264 : i32
      %add3A_355 = arith.addi %add3A_354, %mul3A_267 : i32
      %dma_start3A_356 = arith.constant 1408 : i32
      %dma_start3A_357 = tpu.memref_slice %arg10[%dma_start3A_356] : memref<2048xf32, #tpu.memory_space<vmem>> -> memref<128xf32, #tpu.memory_space<vmem>>
      %dma_start3A_358 = tpu.memref_slice %arg14[%add3A_355] : memref<16384xf32, #tpu.memory_space<vmem_shared>> -> memref<128xf32, #tpu.memory_space<vmem_shared>>
      %dma_start3A_359 = arith.constant 1408 : i32
      %dma_start3A_360 = tpu.memref_slice %arg10[%dma_start3A_359] : memref<2048xf32, #tpu.memory_space<vmem>> -> memref<128xf32, #tpu.memory_space<vmem>>
      %dma_start3A_361 = tpu.memref_slice %arg14[%add3A_355] : memref<16384xf32, #tpu.memory_space<vmem_shared>> -> memref<128xf32, #tpu.memory_space<vmem_shared>>
      tpu.enqueue_dma source(%dma_start3A_361 : memref<128xf32, #tpu.memory_space<vmem_shared>>) target(%dma_start3A_360 : memref<128xf32, #tpu.memory_space<vmem>>) target_semaphore(%arg13 : memref<!tpu.dma_semaphore, #tpu.memory_space<semaphore_mem>>)
      %add3A_362 = arith.constant 12288 : i32
      %add3A_363 = arith.addi %add3A_362, %mul3A_267 : i32
      %dma_start3A_364 = arith.constant 1536 : i32
      %dma_start3A_365 = tpu.memref_slice %arg10[%dma_start3A_364] : memref<2048xf32, #tpu.memory_space<vmem>> -> memref<128xf32, #tpu.memory_space<vmem>>
      %dma_start3A_366 = tpu.memref_slice %arg14[%add3A_363] : memref<16384xf32, #tpu.memory_space<vmem_shared>> -> memref<128xf32, #tpu.memory_space<vmem_shared>>
      %dma_start3A_367 = arith.constant 1536 : i32
      %dma_start3A_368 = tpu.memref_slice %arg10[%dma_start3A_367] : memref<2048xf32, #tpu.memory_space<vmem>> -> memref<128xf32, #tpu.memory_space<vmem>>
      %dma_start3A_369 = tpu.memref_slice %arg14[%add3A_363] : memref<16384xf32, #tpu.memory_space<vmem_shared>> -> memref<128xf32, #tpu.memory_space<vmem_shared>>
      tpu.enqueue_dma source(%dma_start3A_369 : memref<128xf32, #tpu.memory_space<vmem_shared>>) target(%dma_start3A_368 : memref<128xf32, #tpu.memory_space<vmem>>) target_semaphore(%arg13 : memref<!tpu.dma_semaphore, #tpu.memory_space<semaphore_mem>>)
      %add3A_370 = arith.constant 13312 : i32
      %add3A_371 = arith.addi %add3A_370, %mul3A_267 : i32
      %dma_start3A_372 = arith.constant 1664 : i32
      %dma_start3A_373 = tpu.memref_slice %arg10[%dma_start3A_372] : memref<2048xf32, #tpu.memory_space<vmem>> -> memref<128xf32, #tpu.memory_space<vmem>>
      %dma_start3A_374 = tpu.memref_slice %arg14[%add3A_371] : memref<16384xf32, #tpu.memory_space<vmem_shared>> -> memref<128xf32, #tpu.memory_space<vmem_shared>>
      %dma_start3A_375 = arith.constant 1664 : i32
      %dma_start3A_376 = tpu.memref_slice %arg10[%dma_start3A_375] : memref<2048xf32, #tpu.memory_space<vmem>> -> memref<128xf32, #tpu.memory_space<vmem>>
      %dma_start3A_377 = tpu.memref_slice %arg14[%add3A_371] : memref<16384xf32, #tpu.memory_space<vmem_shared>> -> memref<128xf32, #tpu.memory_space<vmem_shared>>
      tpu.enqueue_dma source(%dma_start3A_377 : memref<128xf32, #tpu.memory_space<vmem_shared>>) target(%dma_start3A_376 : memref<128xf32, #tpu.memory_space<vmem>>) target_semaphore(%arg13 : memref<!tpu.dma_semaphore, #tpu.memory_space<semaphore_mem>>)
      %add3A_378 = arith.constant 14336 : i32
      %add3A_379 = arith.addi %add3A_378, %mul3A_267 : i32
      %dma_start3A_380 = arith.constant 1792 : i32
      %dma_start3A_381 = tpu.memref_slice %arg10[%dma_start3A_380] : memref<2048xf32, #tpu.memory_space<vmem>> -> memref<128xf32, #tpu.memory_space<vmem>>
      %dma_start3A_382 = tpu.memref_slice %arg14[%add3A_379] : memref<16384xf32, #tpu.memory_space<vmem_shared>> -> memref<128xf32, #tpu.memory_space<vmem_shared>>
      %dma_start3A_383 = arith.constant 1792 : i32
      %dma_start3A_384 = tpu.memref_slice %arg10[%dma_start3A_383] : memref<2048xf32, #tpu.memory_space<vmem>> -> memref<128xf32, #tpu.memory_space<vmem>>
      %dma_start3A_385 = tpu.memref_slice %arg14[%add3A_379] : memref<16384xf32, #tpu.memory_space<vmem_shared>> -> memref<128xf32, #tpu.memory_space<vmem_shared>>
      tpu.enqueue_dma source(%dma_start3A_385 : memref<128xf32, #tpu.memory_space<vmem_shared>>) target(%dma_start3A_384 : memref<128xf32, #tpu.memory_space<vmem>>) target_semaphore(%arg13 : memref<!tpu.dma_semaphore, #tpu.memory_space<semaphore_mem>>)
      %add3A_386 = arith.constant 15360 : i32
      %add3A_387 = arith.addi %add3A_386, %mul3A_267 : i32
      %dma_start3A_388 = arith.constant 1920 : i32
      %dma_start3A_389 = tpu.memref_slice %arg10[%dma_start3A_388] : memref<2048xf32, #tpu.memory_space<vmem>> -> memref<128xf32, #tpu.memory_space<vmem>>
      %dma_start3A_390 = tpu.memref_slice %arg14[%add3A_387] : memref<16384xf32, #tpu.memory_space<vmem_shared>> -> memref<128xf32, #tpu.memory_space<vmem_shared>>
      %dma_start3A_391 = arith.constant 1920 : i32
      %dma_start3A_392 = tpu.memref_slice %arg10[%dma_start3A_391] : memref<2048xf32, #tpu.memory_space<vmem>> -> memref<128xf32, #tpu.memory_space<vmem>>
      %dma_start3A_393 = tpu.memref_slice %arg14[%add3A_387] : memref<16384xf32, #tpu.memory_space<vmem_shared>> -> memref<128xf32, #tpu.memory_space<vmem_shared>>
      tpu.enqueue_dma source(%dma_start3A_393 : memref<128xf32, #tpu.memory_space<vmem_shared>>) target(%dma_start3A_392 : memref<128xf32, #tpu.memory_space<vmem>>) target_semaphore(%arg13 : memref<!tpu.dma_semaphore, #tpu.memory_space<semaphore_mem>>)
      %dma_wait3A = arith.constant 0 : i32
      %dma_wait3A_394 = tpu.memref_slice %arg10[%dma_wait3A] : memref<2048xf32, #tpu.memory_space<vmem>> -> memref<128xf32, #tpu.memory_space<vmem>>
      %dma_wait3A_395 = tpu.memref_slice %arg14[%add3A_268] : memref<16384xf32, #tpu.memory_space<vmem_shared>> -> memref<128xf32, #tpu.memory_space<vmem_shared>>
      %dma_wait3A_396 = arith.constant 0 : i32
      %dma_wait3A_397 = tpu.memref_slice %arg10[%dma_wait3A_396] : memref<2048xf32, #tpu.memory_space<vmem>> -> memref<128xf32, #tpu.memory_space<vmem>>
      %dma_wait3A_398 = tpu.memref_slice %arg14[%add3A_268] : memref<16384xf32, #tpu.memory_space<vmem_shared>> -> memref<128xf32, #tpu.memory_space<vmem_shared>>
      tpu.wait_dma2 semaphore(%arg13 : memref<!tpu.dma_semaphore, #tpu.memory_space<semaphore_mem>>) src(%dma_wait3A_398 : memref<128xf32, #tpu.memory_space<vmem_shared>>) dst(%dma_wait3A_397 : memref<128xf32, #tpu.memory_space<vmem>>)
      %dma_wait3A_399 = arith.constant 128 : i32
      %dma_wait3A_400 = tpu.memref_slice %arg10[%dma_wait3A_399] : memref<2048xf32, #tpu.memory_space<vmem>> -> memref<128xf32, #tpu.memory_space<vmem>>
      %dma_wait3A_401 = tpu.memref_slice %arg14[%add3A_275] : memref<16384xf32, #tpu.memory_space<vmem_shared>> -> memref<128xf32, #tpu.memory_space<vmem_shared>>
      %dma_wait3A_402 = arith.constant 128 : i32
      %dma_wait3A_403 = tpu.memref_slice %arg10[%dma_wait3A_402] : memref<2048xf32, #tpu.memory_space<vmem>> -> memref<128xf32, #tpu.memory_space<vmem>>
      %dma_wait3A_404 = tpu.memref_slice %arg14[%add3A_275] : memref<16384xf32, #tpu.memory_space<vmem_shared>> -> memref<128xf32, #tpu.memory_space<vmem_shared>>
      tpu.wait_dma2 semaphore(%arg13 : memref<!tpu.dma_semaphore, #tpu.memory_space<semaphore_mem>>) src(%dma_wait3A_404 : memref<128xf32, #tpu.memory_space<vmem_shared>>) dst(%dma_wait3A_403 : memref<128xf32, #tpu.memory_space<vmem>>)
      %dma_wait3A_405 = arith.constant 256 : i32
      %dma_wait3A_406 = tpu.memref_slice %arg10[%dma_wait3A_405] : memref<2048xf32, #tpu.memory_space<vmem>> -> memref<128xf32, #tpu.memory_space<vmem>>
      %dma_wait3A_407 = tpu.memref_slice %arg14[%add3A_283] : memref<16384xf32, #tpu.memory_space<vmem_shared>> -> memref<128xf32, #tpu.memory_space<vmem_shared>>
      %dma_wait3A_408 = arith.constant 256 : i32
      %dma_wait3A_409 = tpu.memref_slice %arg10[%dma_wait3A_408] : memref<2048xf32, #tpu.memory_space<vmem>> -> memref<128xf32, #tpu.memory_space<vmem>>
      %dma_wait3A_410 = tpu.memref_slice %arg14[%add3A_283] : memref<16384xf32, #tpu.memory_space<vmem_shared>> -> memref<128xf32, #tpu.memory_space<vmem_shared>>
      tpu.wait_dma2 semaphore(%arg13 : memref<!tpu.dma_semaphore, #tpu.memory_space<semaphore_mem>>) src(%dma_wait3A_410 : memref<128xf32, #tpu.memory_space<vmem_shared>>) dst(%dma_wait3A_409 : memref<128xf32, #tpu.memory_space<vmem>>)
      %dma_wait3A_411 = arith.constant 384 : i32
      %dma_wait3A_412 = tpu.memref_slice %arg10[%dma_wait3A_411] : memref<2048xf32, #tpu.memory_space<vmem>> -> memref<128xf32, #tpu.memory_space<vmem>>
      %dma_wait3A_413 = tpu.memref_slice %arg14[%add3A_291] : memref<16384xf32, #tpu.memory_space<vmem_shared>> -> memref<128xf32, #tpu.memory_space<vmem_shared>>
      %dma_wait3A_414 = arith.constant 384 : i32
      %dma_wait3A_415 = tpu.memref_slice %arg10[%dma_wait3A_414] : memref<2048xf32, #tpu.memory_space<vmem>> -> memref<128xf32, #tpu.memory_space<vmem>>
      %dma_wait3A_416 = tpu.memref_slice %arg14[%add3A_291] : memref<16384xf32, #tpu.memory_space<vmem_shared>> -> memref<128xf32, #tpu.memory_space<vmem_shared>>
      tpu.wait_dma2 semaphore(%arg13 : memref<!tpu.dma_semaphore, #tpu.memory_space<semaphore_mem>>) src(%dma_wait3A_416 : memref<128xf32, #tpu.memory_space<vmem_shared>>) dst(%dma_wait3A_415 : memref<128xf32, #tpu.memory_space<vmem>>)
      %dma_wait3A_417 = arith.constant 512 : i32
      %dma_wait3A_418 = tpu.memref_slice %arg10[%dma_wait3A_417] : memref<2048xf32, #tpu.memory_space<vmem>> -> memref<128xf32, #tpu.memory_space<vmem>>
      %dma_wait3A_419 = tpu.memref_slice %arg14[%add3A_299] : memref<16384xf32, #tpu.memory_space<vmem_shared>> -> memref<128xf32, #tpu.memory_space<vmem_shared>>
      %dma_wait3A_420 = arith.constant 512 : i32
      %dma_wait3A_421 = tpu.memref_slice %arg10[%dma_wait3A_420] : memref<2048xf32, #tpu.memory_space<vmem>> -> memref<128xf32, #tpu.memory_space<vmem>>
      %dma_wait3A_422 = tpu.memref_slice %arg14[%add3A_299] : memref<16384xf32, #tpu.memory_space<vmem_shared>> -> memref<128xf32, #tpu.memory_space<vmem_shared>>
      tpu.wait_dma2 semaphore(%arg13 : memref<!tpu.dma_semaphore, #tpu.memory_space<semaphore_mem>>) src(%dma_wait3A_422 : memref<128xf32, #tpu.memory_space<vmem_shared>>) dst(%dma_wait3A_421 : memref<128xf32, #tpu.memory_space<vmem>>)
      %dma_wait3A_423 = arith.constant 640 : i32
      %dma_wait3A_424 = tpu.memref_slice %arg10[%dma_wait3A_423] : memref<2048xf32, #tpu.memory_space<vmem>> -> memref<128xf32, #tpu.memory_space<vmem>>
      %dma_wait3A_425 = tpu.memref_slice %arg14[%add3A_307] : memref<16384xf32, #tpu.memory_space<vmem_shared>> -> memref<128xf32, #tpu.memory_space<vmem_shared>>
      %dma_wait3A_426 = arith.constant 640 : i32
      %dma_wait3A_427 = tpu.memref_slice %arg10[%dma_wait3A_426] : memref<2048xf32, #tpu.memory_space<vmem>> -> memref<128xf32, #tpu.memory_space<vmem>>
      %dma_wait3A_428 = tpu.memref_slice %arg14[%add3A_307] : memref<16384xf32, #tpu.memory_space<vmem_shared>> -> memref<128xf32, #tpu.memory_space<vmem_shared>>
      tpu.wait_dma2 semaphore(%arg13 : memref<!tpu.dma_semaphore, #tpu.memory_space<semaphore_mem>>) src(%dma_wait3A_428 : memref<128xf32, #tpu.memory_space<vmem_shared>>) dst(%dma_wait3A_427 : memref<128xf32, #tpu.memory_space<vmem>>)
      %dma_wait3A_429 = arith.constant 768 : i32
      %dma_wait3A_430 = tpu.memref_slice %arg10[%dma_wait3A_429] : memref<2048xf32, #tpu.memory_space<vmem>> -> memref<128xf32, #tpu.memory_space<vmem>>
      %dma_wait3A_431 = tpu.memref_slice %arg14[%add3A_315] : memref<16384xf32, #tpu.memory_space<vmem_shared>> -> memref<128xf32, #tpu.memory_space<vmem_shared>>
      %dma_wait3A_432 = arith.constant 768 : i32
      %dma_wait3A_433 = tpu.memref_slice %arg10[%dma_wait3A_432] : memref<2048xf32, #tpu.memory_space<vmem>> -> memref<128xf32, #tpu.memory_space<vmem>>
      %dma_wait3A_434 = tpu.memref_slice %arg14[%add3A_315] : memref<16384xf32, #tpu.memory_space<vmem_shared>> -> memref<128xf32, #tpu.memory_space<vmem_shared>>
      tpu.wait_dma2 semaphore(%arg13 : memref<!tpu.dma_semaphore, #tpu.memory_space<semaphore_mem>>) src(%dma_wait3A_434 : memref<128xf32, #tpu.memory_space<vmem_shared>>) dst(%dma_wait3A_433 : memref<128xf32, #tpu.memory_space<vmem>>)
      %dma_wait3A_435 = arith.constant 896 : i32
      %dma_wait3A_436 = tpu.memref_slice %arg10[%dma_wait3A_435] : memref<2048xf32, #tpu.memory_space<vmem>> -> memref<128xf32, #tpu.memory_space<vmem>>
      %dma_wait3A_437 = tpu.memref_slice %arg14[%add3A_323] : memref<16384xf32, #tpu.memory_space<vmem_shared>> -> memref<128xf32, #tpu.memory_space<vmem_shared>>
      %dma_wait3A_438 = arith.constant 896 : i32
      %dma_wait3A_439 = tpu.memref_slice %arg10[%dma_wait3A_438] : memref<2048xf32, #tpu.memory_space<vmem>> -> memref<128xf32, #tpu.memory_space<vmem>>
      %dma_wait3A_440 = tpu.memref_slice %arg14[%add3A_323] : memref<16384xf32, #tpu.memory_space<vmem_shared>> -> memref<128xf32, #tpu.memory_space<vmem_shared>>
      tpu.wait_dma2 semaphore(%arg13 : memref<!tpu.dma_semaphore, #tpu.memory_space<semaphore_mem>>) src(%dma_wait3A_440 : memref<128xf32, #tpu.memory_space<vmem_shared>>) dst(%dma_wait3A_439 : memref<128xf32, #tpu.memory_space<vmem>>)
      %dma_wait3A_441 = arith.constant 1024 : i32
      %dma_wait3A_442 = tpu.memref_slice %arg10[%dma_wait3A_441] : memref<2048xf32, #tpu.memory_space<vmem>> -> memref<128xf32, #tpu.memory_space<vmem>>
      %dma_wait3A_443 = tpu.memref_slice %arg14[%add3A_331] : memref<16384xf32, #tpu.memory_space<vmem_shared>> -> memref<128xf32, #tpu.memory_space<vmem_shared>>
      %dma_wait3A_444 = arith.constant 1024 : i32
      %dma_wait3A_445 = tpu.memref_slice %arg10[%dma_wait3A_444] : memref<2048xf32, #tpu.memory_space<vmem>> -> memref<128xf32, #tpu.memory_space<vmem>>
      %dma_wait3A_446 = tpu.memref_slice %arg14[%add3A_331] : memref<16384xf32, #tpu.memory_space<vmem_shared>> -> memref<128xf32, #tpu.memory_space<vmem_shared>>
      tpu.wait_dma2 semaphore(%arg13 : memref<!tpu.dma_semaphore, #tpu.memory_space<semaphore_mem>>) src(%dma_wait3A_446 : memref<128xf32, #tpu.memory_space<vmem_shared>>) dst(%dma_wait3A_445 : memref<128xf32, #tpu.memory_space<vmem>>)
      %dma_wait3A_447 = arith.constant 1152 : i32
      %dma_wait3A_448 = tpu.memref_slice %arg10[%dma_wait3A_447] : memref<2048xf32, #tpu.memory_space<vmem>> -> memref<128xf32, #tpu.memory_space<vmem>>
      %dma_wait3A_449 = tpu.memref_slice %arg14[%add3A_339] : memref<16384xf32, #tpu.memory_space<vmem_shared>> -> memref<128xf32, #tpu.memory_space<vmem_shared>>
      %dma_wait3A_450 = arith.constant 1152 : i32
      %dma_wait3A_451 = tpu.memref_slice %arg10[%dma_wait3A_450] : memref<2048xf32, #tpu.memory_space<vmem>> -> memref<128xf32, #tpu.memory_space<vmem>>
      %dma_wait3A_452 = tpu.memref_slice %arg14[%add3A_339] : memref<16384xf32, #tpu.memory_space<vmem_shared>> -> memref<128xf32, #tpu.memory_space<vmem_shared>>
      tpu.wait_dma2 semaphore(%arg13 : memref<!tpu.dma_semaphore, #tpu.memory_space<semaphore_mem>>) src(%dma_wait3A_452 : memref<128xf32, #tpu.memory_space<vmem_shared>>) dst(%dma_wait3A_451 : memref<128xf32, #tpu.memory_space<vmem>>)
      %dma_wait3A_453 = arith.constant 1280 : i32
      %dma_wait3A_454 = tpu.memref_slice %arg10[%dma_wait3A_453] : memref<2048xf32, #tpu.memory_space<vmem>> -> memref<128xf32, #tpu.memory_space<vmem>>
      %dma_wait3A_455 = tpu.memref_slice %arg14[%add3A_347] : memref<16384xf32, #tpu.memory_space<vmem_shared>> -> memref<128xf32, #tpu.memory_space<vmem_shared>>
      %dma_wait3A_456 = arith.constant 1280 : i32
      %dma_wait3A_457 = tpu.memref_slice %arg10[%dma_wait3A_456] : memref<2048xf32, #tpu.memory_space<vmem>> -> memref<128xf32, #tpu.memory_space<vmem>>
      %dma_wait3A_458 = tpu.memref_slice %arg14[%add3A_347] : memref<16384xf32, #tpu.memory_space<vmem_shared>> -> memref<128xf32, #tpu.memory_space<vmem_shared>>
      tpu.wait_dma2 semaphore(%arg13 : memref<!tpu.dma_semaphore, #tpu.memory_space<semaphore_mem>>) src(%dma_wait3A_458 : memref<128xf32, #tpu.memory_space<vmem_shared>>) dst(%dma_wait3A_457 : memref<128xf32, #tpu.memory_space<vmem>>)
      %dma_wait3A_459 = arith.constant 1408 : i32
      %dma_wait3A_460 = tpu.memref_slice %arg10[%dma_wait3A_459] : memref<2048xf32, #tpu.memory_space<vmem>> -> memref<128xf32, #tpu.memory_space<vmem>>
      %dma_wait3A_461 = tpu.memref_slice %arg14[%add3A_355] : memref<16384xf32, #tpu.memory_space<vmem_shared>> -> memref<128xf32, #tpu.memory_space<vmem_shared>>
      %dma_wait3A_462 = arith.constant 1408 : i32
      %dma_wait3A_463 = tpu.memref_slice %arg10[%dma_wait3A_462] : memref<2048xf32, #tpu.memory_space<vmem>> -> memref<128xf32, #tpu.memory_space<vmem>>
      %dma_wait3A_464 = tpu.memref_slice %arg14[%add3A_355] : memref<16384xf32, #tpu.memory_space<vmem_shared>> -> memref<128xf32, #tpu.memory_space<vmem_shared>>
      tpu.wait_dma2 semaphore(%arg13 : memref<!tpu.dma_semaphore, #tpu.memory_space<semaphore_mem>>) src(%dma_wait3A_464 : memref<128xf32, #tpu.memory_space<vmem_shared>>) dst(%dma_wait3A_463 : memref<128xf32, #tpu.memory_space<vmem>>)
      %dma_wait3A_465 = arith.constant 1536 : i32
      %dma_wait3A_466 = tpu.memref_slice %arg10[%dma_wait3A_465] : memref<2048xf32, #tpu.memory_space<vmem>> -> memref<128xf32, #tpu.memory_space<vmem>>
      %dma_wait3A_467 = tpu.memref_slice %arg14[%add3A_363] : memref<16384xf32, #tpu.memory_space<vmem_shared>> -> memref<128xf32, #tpu.memory_space<vmem_shared>>
      %dma_wait3A_468 = arith.constant 1536 : i32
      %dma_wait3A_469 = tpu.memref_slice %arg10[%dma_wait3A_468] : memref<2048xf32, #tpu.memory_space<vmem>> -> memref<128xf32, #tpu.memory_space<vmem>>
      %dma_wait3A_470 = tpu.memref_slice %arg14[%add3A_363] : memref<16384xf32, #tpu.memory_space<vmem_shared>> -> memref<128xf32, #tpu.memory_space<vmem_shared>>
      tpu.wait_dma2 semaphore(%arg13 : memref<!tpu.dma_semaphore, #tpu.memory_space<semaphore_mem>>) src(%dma_wait3A_470 : memref<128xf32, #tpu.memory_space<vmem_shared>>) dst(%dma_wait3A_469 : memref<128xf32, #tpu.memory_space<vmem>>)
      %dma_wait3A_471 = arith.constant 1664 : i32
      %dma_wait3A_472 = tpu.memref_slice %arg10[%dma_wait3A_471] : memref<2048xf32, #tpu.memory_space<vmem>> -> memref<128xf32, #tpu.memory_space<vmem>>
      %dma_wait3A_473 = tpu.memref_slice %arg14[%add3A_371] : memref<16384xf32, #tpu.memory_space<vmem_shared>> -> memref<128xf32, #tpu.memory_space<vmem_shared>>
      %dma_wait3A_474 = arith.constant 1664 : i32
      %dma_wait3A_475 = tpu.memref_slice %arg10[%dma_wait3A_474] : memref<2048xf32, #tpu.memory_space<vmem>> -> memref<128xf32, #tpu.memory_space<vmem>>
      %dma_wait3A_476 = tpu.memref_slice %arg14[%add3A_371] : memref<16384xf32, #tpu.memory_space<vmem_shared>> -> memref<128xf32, #tpu.memory_space<vmem_shared>>
      tpu.wait_dma2 semaphore(%arg13 : memref<!tpu.dma_semaphore, #tpu.memory_space<semaphore_mem>>) src(%dma_wait3A_476 : memref<128xf32, #tpu.memory_space<vmem_shared>>) dst(%dma_wait3A_475 : memref<128xf32, #tpu.memory_space<vmem>>)
      %dma_wait3A_477 = arith.constant 1792 : i32
      %dma_wait3A_478 = tpu.memref_slice %arg10[%dma_wait3A_477] : memref<2048xf32, #tpu.memory_space<vmem>> -> memref<128xf32, #tpu.memory_space<vmem>>
      %dma_wait3A_479 = tpu.memref_slice %arg14[%add3A_379] : memref<16384xf32, #tpu.memory_space<vmem_shared>> -> memref<128xf32, #tpu.memory_space<vmem_shared>>
      %dma_wait3A_480 = arith.constant 1792 : i32
      %dma_wait3A_481 = tpu.memref_slice %arg10[%dma_wait3A_480] : memref<2048xf32, #tpu.memory_space<vmem>> -> memref<128xf32, #tpu.memory_space<vmem>>
      %dma_wait3A_482 = tpu.memref_slice %arg14[%add3A_379] : memref<16384xf32, #tpu.memory_space<vmem_shared>> -> memref<128xf32, #tpu.memory_space<vmem_shared>>
      tpu.wait_dma2 semaphore(%arg13 : memref<!tpu.dma_semaphore, #tpu.memory_space<semaphore_mem>>) src(%dma_wait3A_482 : memref<128xf32, #tpu.memory_space<vmem_shared>>) dst(%dma_wait3A_481 : memref<128xf32, #tpu.memory_space<vmem>>)
      %dma_wait3A_483 = arith.constant 1920 : i32
      %dma_wait3A_484 = tpu.memref_slice %arg10[%dma_wait3A_483] : memref<2048xf32, #tpu.memory_space<vmem>> -> memref<128xf32, #tpu.memory_space<vmem>>
      %dma_wait3A_485 = tpu.memref_slice %arg14[%add3A_387] : memref<16384xf32, #tpu.memory_space<vmem_shared>> -> memref<128xf32, #tpu.memory_space<vmem_shared>>
      %dma_wait3A_486 = arith.constant 1920 : i32
      %dma_wait3A_487 = tpu.memref_slice %arg10[%dma_wait3A_486] : memref<2048xf32, #tpu.memory_space<vmem>> -> memref<128xf32, #tpu.memory_space<vmem>>
      %dma_wait3A_488 = tpu.memref_slice %arg14[%add3A_387] : memref<16384xf32, #tpu.memory_space<vmem_shared>> -> memref<128xf32, #tpu.memory_space<vmem_shared>>
      tpu.wait_dma2 semaphore(%arg13 : memref<!tpu.dma_semaphore, #tpu.memory_space<semaphore_mem>>) src(%dma_wait3A_488 : memref<128xf32, #tpu.memory_space<vmem_shared>>) dst(%dma_wait3A_487 : memref<128xf32, #tpu.memory_space<vmem>>)
      %get3A = arith.constant 0 : index
      %get3A_489 = tpu.vector_load %arg12[%get3A] {strides = array<i32>} : memref<16xf32, #tpu.memory_space<vmem>>, vector<16xf32>,
      %slice3A = vector.extract_strided_slice %get3A_489 {offsets = [0], sizes = [1], strides = [1]} : vector<16xf32> to vector<1xf32>
      %squeeze3A = vector.extract %slice3A[0] : f32 from vector<1xf32>
      %slice3A_490 = vector.extract_strided_slice %get3A_489 {offsets = [8], sizes = [1], strides = [1]} : vector<16xf32> to vector<1xf32>
      %squeeze3A_491 = vector.extract %slice3A_490[0] : f32 from vector<1xf32>
      %broadcast_in_dim3A_492 = arith.constant 0.000000e+00 : f32
      %broadcast_in_dim3A_493 = vector.broadcast %broadcast_in_dim3A_492 : f32 to vector<16xf32>
      %scan3A = arith.constant 0 : i32
      %scan3A_494 = arith.constant 16 : i32
      %scan3A_495 = arith.addi %scan3A, %scan3A_494 : i32
      %scan3A_496 = arith.constant 1 : i32
      %scan3A_497 = scf.for %scan3A_603 = %scan3A to %scan3A_495 step %scan3A_496 iter_args(%scan3A_604 = %broadcast_in_dim3A_493) -> (vector<16xf32>)  : i32 {
        %mul3A_605 = arith.constant 128 : i32
        %mul3A_606 = arith.muli %scan3A_603, %mul3A_605 : i32
        %add3A_607 = arith.constant 0 : i32
        %add3A_608 = arith.addi %mul3A_606, %add3A_607 : i32
        %get3A_609 = arith.index_cast %add3A_608 : i32 to index
        %get3A_610 = tpu.vector_load %arg10[%get3A_609] {strides = array<i32>} : memref<2048xf32, #tpu.memory_space<vmem>>, vector<16xf32>,
        %add3A_611 = arith.addf %scan3A_604, %get3A_610 : vector<16xf32>
        scf.yield %add3A_611 : vector<16xf32>
      }
      %scan3A_498 = arith.constant 16 : i32
      %mul3A_499 = vector.broadcast %squeeze3A : f32 to vector<16xf32>
      %mul3A_500 = arith.mulf %scan3A_497, %mul3A_499 : vector<16xf32>
      %add3A_501 = vector.broadcast %squeeze3A_491 : f32 to vector<16xf32>
      %add3A_502 = arith.addf %mul3A_500, %add3A_501 : vector<16xf32>
      %swap3A_503 = arith.constant 0 : index
      %swap3A_504 = tpu.vector_load %arg11[%swap3A_503] {strides = array<i32>} : memref<128xf32, #tpu.memory_space<vmem>>, vector<16xf32>,
      tpu.vector_store %arg11[%swap3A_503], %add3A_502 {strides = array<i32>} : memref<128xf32, #tpu.memory_space<vmem>>, vector<16xf32>,
      %broadcast_in_dim3A_505 = arith.constant 0.000000e+00 : f32
      %broadcast_in_dim3A_506 = vector.broadcast %broadcast_in_dim3A_505 : f32 to vector<16xf32>
      %scan3A_507 = arith.constant 0 : i32
      %scan3A_508 = arith.constant 16 : i32
      %scan3A_509 = arith.addi %scan3A_507, %scan3A_508 : i32
      %scan3A_510 = arith.constant 1 : i32
      %scan3A_511 = scf.for %scan3A_603 = %scan3A_507 to %scan3A_509 step %scan3A_510 iter_args(%scan3A_604 = %broadcast_in_dim3A_506) -> (vector<16xf32>)  : i32 {
        %mul3A_605 = arith.constant 128 : i32
        %mul3A_606 = arith.muli %scan3A_603, %mul3A_605 : i32
        %add3A_607 = arith.constant 16 : i32
        %add3A_608 = arith.addi %mul3A_606, %add3A_607 : i32
        %get3A_609 = arith.index_cast %add3A_608 : i32 to index
        %get3A_610 = tpu.vector_load %arg10[%get3A_609] {strides = array<i32>} : memref<2048xf32, #tpu.memory_space<vmem>>, vector<16xf32>,
        %add3A_611 = arith.addf %scan3A_604, %get3A_610 : vector<16xf32>
        scf.yield %add3A_611 : vector<16xf32>
      }
      %scan3A_512 = arith.constant 16 : i32
      %mul3A_513 = vector.broadcast %squeeze3A : f32 to vector<16xf32>
      %mul3A_514 = arith.mulf %scan3A_511, %mul3A_513 : vector<16xf32>
      %add3A_515 = vector.broadcast %squeeze3A_491 : f32 to vector<16xf32>
      %add3A_516 = arith.addf %mul3A_514, %add3A_515 : vector<16xf32>
      %swap3A_517 = arith.constant 16 : index
      %swap3A_518 = tpu.vector_load %arg11[%swap3A_517] {strides = array<i32>} : memref<128xf32, #tpu.memory_space<vmem>>, vector<16xf32>,
      tpu.vector_store %arg11[%swap3A_517], %add3A_516 {strides = array<i32>} : memref<128xf32, #tpu.memory_space<vmem>>, vector<16xf32>,
      %broadcast_in_dim3A_519 = arith.constant 0.000000e+00 : f32
      %broadcast_in_dim3A_520 = vector.broadcast %broadcast_in_dim3A_519 : f32 to vector<16xf32>
      %scan3A_521 = arith.constant 0 : i32
      %scan3A_522 = arith.constant 16 : i32
      %scan3A_523 = arith.addi %scan3A_521, %scan3A_522 : i32
      %scan3A_524 = arith.constant 1 : i32
      %scan3A_525 = scf.for %scan3A_603 = %scan3A_521 to %scan3A_523 step %scan3A_524 iter_args(%scan3A_604 = %broadcast_in_dim3A_520) -> (vector<16xf32>)  : i32 {
        %mul3A_605 = arith.constant 128 : i32
        %mul3A_606 = arith.muli %scan3A_603, %mul3A_605 : i32
        %add3A_607 = arith.constant 32 : i32
        %add3A_608 = arith.addi %mul3A_606, %add3A_607 : i32
        %get3A_609 = arith.index_cast %add3A_608 : i32 to index
        %get3A_610 = tpu.vector_load %arg10[%get3A_609] {strides = array<i32>} : memref<2048xf32, #tpu.memory_space<vmem>>, vector<16xf32>,
        %add3A_611 = arith.addf %scan3A_604, %get3A_610 : vector<16xf32>
        scf.yield %add3A_611 : vector<16xf32>
      }
      %scan3A_526 = arith.constant 16 : i32
      %mul3A_527 = vector.broadcast %squeeze3A : f32 to vector<16xf32>
      %mul3A_528 = arith.mulf %scan3A_525, %mul3A_527 : vector<16xf32>
      %add3A_529 = vector.broadcast %squeeze3A_491 : f32 to vector<16xf32>
      %add3A_530 = arith.addf %mul3A_528, %add3A_529 : vector<16xf32>
      %swap3A_531 = arith.constant 32 : index
      %swap3A_532 = tpu.vector_load %arg11[%swap3A_531] {strides = array<i32>} : memref<128xf32, #tpu.memory_space<vmem>>, vector<16xf32>,
      tpu.vector_store %arg11[%swap3A_531], %add3A_530 {strides = array<i32>} : memref<128xf32, #tpu.memory_space<vmem>>, vector<16xf32>,
      %broadcast_in_dim3A_533 = arith.constant 0.000000e+00 : f32
      %broadcast_in_dim3A_534 = vector.broadcast %broadcast_in_dim3A_533 : f32 to vector<16xf32>
      %scan3A_535 = arith.constant 0 : i32
      %scan3A_536 = arith.constant 16 : i32
      %scan3A_537 = arith.addi %scan3A_535, %scan3A_536 : i32
      %scan3A_538 = arith.constant 1 : i32
      %scan3A_539 = scf.for %scan3A_603 = %scan3A_535 to %scan3A_537 step %scan3A_538 iter_args(%scan3A_604 = %broadcast_in_dim3A_534) -> (vector<16xf32>)  : i32 {
        %mul3A_605 = arith.constant 128 : i32
        %mul3A_606 = arith.muli %scan3A_603, %mul3A_605 : i32
        %add3A_607 = arith.constant 48 : i32
        %add3A_608 = arith.addi %mul3A_606, %add3A_607 : i32
        %get3A_609 = arith.index_cast %add3A_608 : i32 to index
        %get3A_610 = tpu.vector_load %arg10[%get3A_609] {strides = array<i32>} : memref<2048xf32, #tpu.memory_space<vmem>>, vector<16xf32>,
        %add3A_611 = arith.addf %scan3A_604, %get3A_610 : vector<16xf32>
        scf.yield %add3A_611 : vector<16xf32>
      }
      %scan3A_540 = arith.constant 16 : i32
      %mul3A_541 = vector.broadcast %squeeze3A : f32 to vector<16xf32>
      %mul3A_542 = arith.mulf %scan3A_539, %mul3A_541 : vector<16xf32>
      %add3A_543 = vector.broadcast %squeeze3A_491 : f32 to vector<16xf32>
      %add3A_544 = arith.addf %mul3A_542, %add3A_543 : vector<16xf32>
      %swap3A_545 = arith.constant 48 : index
      %swap3A_546 = tpu.vector_load %arg11[%swap3A_545] {strides = array<i32>} : memref<128xf32, #tpu.memory_space<vmem>>, vector<16xf32>,
      tpu.vector_store %arg11[%swap3A_545], %add3A_544 {strides = array<i32>} : memref<128xf32, #tpu.memory_space<vmem>>, vector<16xf32>,
      %broadcast_in_dim3A_547 = arith.constant 0.000000e+00 : f32
      %broadcast_in_dim3A_548 = vector.broadcast %broadcast_in_dim3A_547 : f32 to vector<16xf32>
      %scan3A_549 = arith.constant 0 : i32
      %scan3A_550 = arith.constant 16 : i32
      %scan3A_551 = arith.addi %scan3A_549, %scan3A_550 : i32
      %scan3A_552 = arith.constant 1 : i32
      %scan3A_553 = scf.for %scan3A_603 = %scan3A_549 to %scan3A_551 step %scan3A_552 iter_args(%scan3A_604 = %broadcast_in_dim3A_548) -> (vector<16xf32>)  : i32 {
        %mul3A_605 = arith.constant 128 : i32
        %mul3A_606 = arith.muli %scan3A_603, %mul3A_605 : i32
        %add3A_607 = arith.constant 64 : i32
        %add3A_608 = arith.addi %mul3A_606, %add3A_607 : i32
        %get3A_609 = arith.index_cast %add3A_608 : i32 to index
        %get3A_610 = tpu.vector_load %arg10[%get3A_609] {strides = array<i32>} : memref<2048xf32, #tpu.memory_space<vmem>>, vector<16xf32>,
        %add3A_611 = arith.addf %scan3A_604, %get3A_610 : vector<16xf32>
        scf.yield %add3A_611 : vector<16xf32>
      }
      %scan3A_554 = arith.constant 16 : i32
      %mul3A_555 = vector.broadcast %squeeze3A : f32 to vector<16xf32>
      %mul3A_556 = arith.mulf %scan3A_553, %mul3A_555 : vector<16xf32>
      %add3A_557 = vector.broadcast %squeeze3A_491 : f32 to vector<16xf32>
      %add3A_558 = arith.addf %mul3A_556, %add3A_557 : vector<16xf32>
      %swap3A_559 = arith.constant 64 : index
      %swap3A_560 = tpu.vector_load %arg11[%swap3A_559] {strides = array<i32>} : memref<128xf32, #tpu.memory_space<vmem>>, vector<16xf32>,
      tpu.vector_store %arg11[%swap3A_559], %add3A_558 {strides = array<i32>} : memref<128xf32, #tpu.memory_space<vmem>>, vector<16xf32>,
      %broadcast_in_dim3A_561 = arith.constant 0.000000e+00 : f32
      %broadcast_in_dim3A_562 = vector.broadcast %broadcast_in_dim3A_561 : f32 to vector<16xf32>
      %scan3A_563 = arith.constant 0 : i32
      %scan3A_564 = arith.constant 16 : i32
      %scan3A_565 = arith.addi %scan3A_563, %scan3A_564 : i32
      %scan3A_566 = arith.constant 1 : i32
      %scan3A_567 = scf.for %scan3A_603 = %scan3A_563 to %scan3A_565 step %scan3A_566 iter_args(%scan3A_604 = %broadcast_in_dim3A_562) -> (vector<16xf32>)  : i32 {
        %mul3A_605 = arith.constant 128 : i32
        %mul3A_606 = arith.muli %scan3A_603, %mul3A_605 : i32
        %add3A_607 = arith.constant 80 : i32
        %add3A_608 = arith.addi %mul3A_606, %add3A_607 : i32
        %get3A_609 = arith.index_cast %add3A_608 : i32 to index
        %get3A_610 = tpu.vector_load %arg10[%get3A_609] {strides = array<i32>} : memref<2048xf32, #tpu.memory_space<vmem>>, vector<16xf32>,
        %add3A_611 = arith.addf %scan3A_604, %get3A_610 : vector<16xf32>
        scf.yield %add3A_611 : vector<16xf32>
      }
      %scan3A_568 = arith.constant 16 : i32
      %mul3A_569 = vector.broadcast %squeeze3A : f32 to vector<16xf32>
      %mul3A_570 = arith.mulf %scan3A_567, %mul3A_569 : vector<16xf32>
      %add3A_571 = vector.broadcast %squeeze3A_491 : f32 to vector<16xf32>
      %add3A_572 = arith.addf %mul3A_570, %add3A_571 : vector<16xf32>
      %swap3A_573 = arith.constant 80 : index
      %swap3A_574 = tpu.vector_load %arg11[%swap3A_573] {strides = array<i32>} : memref<128xf32, #tpu.memory_space<vmem>>, vector<16xf32>,
      tpu.vector_store %arg11[%swap3A_573], %add3A_572 {strides = array<i32>} : memref<128xf32, #tpu.memory_space<vmem>>, vector<16xf32>,
      %broadcast_in_dim3A_575 = arith.constant 0.000000e+00 : f32
      %broadcast_in_dim3A_576 = vector.broadcast %broadcast_in_dim3A_575 : f32 to vector<16xf32>
      %scan3A_577 = arith.constant 0 : i32
      %scan3A_578 = arith.constant 16 : i32
      %scan3A_579 = arith.addi %scan3A_577, %scan3A_578 : i32
      %scan3A_580 = arith.constant 1 : i32
      %scan3A_581 = scf.for %scan3A_603 = %scan3A_577 to %scan3A_579 step %scan3A_580 iter_args(%scan3A_604 = %broadcast_in_dim3A_576) -> (vector<16xf32>)  : i32 {
        %mul3A_605 = arith.constant 128 : i32
        %mul3A_606 = arith.muli %scan3A_603, %mul3A_605 : i32
        %add3A_607 = arith.constant 96 : i32
        %add3A_608 = arith.addi %mul3A_606, %add3A_607 : i32
        %get3A_609 = arith.index_cast %add3A_608 : i32 to index
        %get3A_610 = tpu.vector_load %arg10[%get3A_609] {strides = array<i32>} : memref<2048xf32, #tpu.memory_space<vmem>>, vector<16xf32>,
        %add3A_611 = arith.addf %scan3A_604, %get3A_610 : vector<16xf32>
        scf.yield %add3A_611 : vector<16xf32>
      }
      %scan3A_582 = arith.constant 16 : i32
      %mul3A_583 = vector.broadcast %squeeze3A : f32 to vector<16xf32>
      %mul3A_584 = arith.mulf %scan3A_581, %mul3A_583 : vector<16xf32>
      %add3A_585 = vector.broadcast %squeeze3A_491 : f32 to vector<16xf32>
      %add3A_586 = arith.addf %mul3A_584, %add3A_585 : vector<16xf32>
      %swap3A_587 = arith.constant 96 : index
      %swap3A_588 = tpu.vector_load %arg11[%swap3A_587] {strides = array<i32>} : memref<128xf32, #tpu.memory_space<vmem>>, vector<16xf32>,
      tpu.vector_store %arg11[%swap3A_587], %add3A_586 {strides = array<i32>} : memref<128xf32, #tpu.memory_space<vmem>>, vector<16xf32>,
      %broadcast_in_dim3A_589 = arith.constant 0.000000e+00 : f32
      %broadcast_in_dim3A_590 = vector.broadcast %broadcast_in_dim3A_589 : f32 to vector<16xf32>
      %scan3A_591 = arith.constant 0 : i32
      %scan3A_592 = arith.constant 16 : i32
      %scan3A_593 = arith.addi %scan3A_591, %scan3A_592 : i32
      %scan3A_594 = arith.constant 1 : i32
      %scan3A_595 = scf.for %scan3A_603 = %scan3A_591 to %scan3A_593 step %scan3A_594 iter_args(%scan3A_604 = %broadcast_in_dim3A_590) -> (vector<16xf32>)  : i32 {
        %mul3A_605 = arith.constant 128 : i32
        %mul3A_606 = arith.muli %scan3A_603, %mul3A_605 : i32
        %add3A_607 = arith.constant 112 : i32
        %add3A_608 = arith.addi %mul3A_606, %add3A_607 : i32
        %get3A_609 = arith.index_cast %add3A_608 : i32 to index
        %get3A_610 = tpu.vector_load %arg10[%get3A_609] {strides = array<i32>} : memref<2048xf32, #tpu.memory_space<vmem>>, vector<16xf32>,
        %add3A_611 = arith.addf %scan3A_604, %get3A_610 : vector<16xf32>
        scf.yield %add3A_611 : vector<16xf32>
      }
      %scan3A_596 = arith.constant 16 : i32
      %mul3A_597 = vector.broadcast %squeeze3A : f32 to vector<16xf32>
      %mul3A_598 = arith.mulf %scan3A_595, %mul3A_597 : vector<16xf32>
      %add3A_599 = vector.broadcast %squeeze3A_491 : f32 to vector<16xf32>
      %add3A_600 = arith.addf %mul3A_598, %add3A_599 : vector<16xf32>
      %swap3A_601 = arith.constant 112 : index
      %swap3A_602 = tpu.vector_load %arg11[%swap3A_601] {strides = array<i32>} : memref<128xf32, #tpu.memory_space<vmem>>, vector<16xf32>,
      tpu.vector_store %arg11[%swap3A_601], %add3A_600 {strides = array<i32>} : memref<128xf32, #tpu.memory_space<vmem>>, vector<16xf32>,
      "tpu.region"() ({
        %run_scoped3A = tpu.sem_alloc : memref<!tpu.dma_semaphore, #tpu.memory_space<semaphore_mem>>
        %dma_start3A_603 = tpu.memref_slice %arg6[%mul3A_267] : memref<1024xf32, #tpu.memory_space<hbm>> -> memref<128xf32, #tpu.memory_space<hbm>>
        %dma_start3A_604 = tpu.memref_slice %arg6[%mul3A_267] : memref<1024xf32, #tpu.memory_space<hbm>> -> memref<128xf32, #tpu.memory_space<hbm>>
        tpu.enqueue_dma source(%arg11 : memref<128xf32, #tpu.memory_space<vmem>>) target(%dma_start3A_604 : memref<128xf32, #tpu.memory_space<hbm>>) target_semaphore(%run_scoped3A : memref<!tpu.dma_semaphore, #tpu.memory_space<semaphore_mem>>)
        %dma_wait3A_605 = tpu.memref_slice %arg6[%mul3A_267] : memref<1024xf32, #tpu.memory_space<hbm>> -> memref<128xf32, #tpu.memory_space<hbm>>
        %dma_wait3A_606 = tpu.memref_slice %arg6[%mul3A_267] : memref<1024xf32, #tpu.memory_space<hbm>> -> memref<128xf32, #tpu.memory_space<hbm>>
        tpu.wait_dma2 semaphore(%run_scoped3A : memref<!tpu.dma_semaphore, #tpu.memory_space<semaphore_mem>>) src(%arg11 : memref<128xf32, #tpu.memory_space<vmem>>) dst(%dma_wait3A_606 : memref<128xf32, #tpu.memory_space<hbm>>)
        tpu.yield
      }) : () -> ()
    } else {
    }
    return
  }
}

</mosaic_0001>

<sc_bundles>
// kernel: _run.3.cloned.1.call-start
scs
__scs_entry_jumppad:
0x0: {  	(pc) =	sbr.rel $0x88, $3  }
0x1: {  	(tag) =	ssettag $0x0;
	lr =	simm.s32 $0x1  }
0x2: {  	[smem:$0x3F9D] =	sst lr;
	_ =	strace $0xD0000000  }
0x3: {  	_ = 	snop  }
0x4: {  	_ = 	snop  }
0x5: {  	_ = 	snop  }
0x6: {  	_ = 	snop  }
0x7: {  	_ = 	snop  }
__scs_overlays_trampoline_lowered:
0x8: {  	[smem:$0x3FAC] =	sst s0  }
0x9: {  	[smem:$0x3FAD] =	sst s1  }
0xa: {  	[smem:$0x3FAE] =	sst s2  }
0xb: {  	[smem:$0x3FAF] =	sst s3  }
0xc: {  	[smem:$0x3FB0] =	sst s4  }
0xd: {  	[smem:$0x3FB1] =	sst s5  }
0xe: {  	[smem:$0x3FB2] =	sst s6  }
0xf: {  	[smem:$0x3FB3] =	sst s7  }
0x10: {  	[smem:$0x3FB4] =	sst s8  }
0x11: {  	[smem:$0x3FB5] =	sst s9;
	s0 =	simm.s32 @!p0 $0x0  }
0x12: {  	s1 =	sld [smem:$0x3F9B];
	s0 =	simm.s32 @p0 $0x1  }
0x13: {  	[smem:$0x3FB6] =	sst s0;
	s0 =	simm.s32 @!p1 $0x0  }
0x14: {  	s2 =	sld [smem:$0x3F9A];
	s0 =	simm.s32 @p1 $0x1  }
0x15: {  	[smem:$0x3FB7] =	sst s0;
	s0 =	simm.s32 @!p2 $0x0  }
0x16: {  	s3 =	sld [smem:$0x3FDB];
	s0 =	simm.s32 @p2 $0x1  }
0x17: {  	s4 =	simm.s32 $0x1BF5;
	[smem:$0x3FB9] =	sst s0  }
0x18: {  	s0 =	sld [smem:$0x3F9C];
	_ =	swait.ge [sflag:s4], $0x0  }
0x19: {  	s7 =	sld [smem:$0x3F9D]  }
0x1a: {  	s8 =	sadd.s32 $0xFFFFE003, lr  }
0x1b: {  	s9 =	sadd.s32 $0xFFFFFEF7, lr;
	s5 =	simm.s32 $0xFFFFFFFF;
	p2 =	slt.u32 s8, $0xFFFFF086  }
0x1c: {  	p1 =	slt.u32 s9, $0xF7A;
	s5 =	simm.s32 @!p2 $0x0  }
0x1d: {  	s5 =	simm.s32 @p1 $0x1;
	p0 =	seq.s32 s7, s2  }
0x1e: {  	s7 =	smul.u32 @!p0 $0xF7A, s2;
	p2 =	seq.s32 @!p0 s5, $0x0  }
0x1f: {  	s9 =	smul.u32 $0xF7A, s1;
	s8 =	simm.s32 @!p0 $0x1BF5;
	p2 =	por !p2, p0  }
0x20: {  	[sflag:s8] =	ssyncset.s32 @!p0 $0xFFFFF086;
	s6 =	sadd.s32 @!p0 s3, s7;
	s7 =	simm.s32 @!p0 $0x108  }
0x21: {  	s3 =	sadd.s32 s3, s9;
	s6 =	sadd.s32 @!p0 $0x88, s6;
	s7 =	simm.s32 @p2 $0x1082  }
0x22: {  	[simem:s7], [sflag:s8] =	dma.local @!p0 [hbm:s6], $0xF7A  }
0x23: {  	s9 =	sor.u32 $0xD0000000, s2;
	s6 =	simm.s32 $0x108;
	_ =	swait.ge @!p0 [sflag:s8], $0x0  }
0x24: {  	s3 =	sadd.s32 $0x88, s3;
	s6 =	simm.s32 @!p1 $0x1082;
	[sflag:s4] =	ssyncset.s32 $0xFFFFF086  }
0x25: {  	[simem:s6], [sflag:s4] =	dma.local [hbm:s3], $0xF7A  }
0x26: {  	[smem:$0x3F9D] =	sst s1;
	(tag) =	ssettag s2;
	_ =	strace s9  }
0x27: {  	s1 =	sld [smem:$0x3FAD]  }
0x28: {  	s2 =	sld [smem:$0x3FAE]  }
0x29: {  	s4 =	sld [smem:$0x3FB0]  }
0x2a: {  	p0 =	seq.s32 s5, $0x0;
	s5 =	sld [smem:$0x3FB1]  }
0x2b: {  	s6 =	sld [smem:$0x3FB2]  }
0x2c: {  	s7 =	sld [smem:$0x3FB3]  }
0x2d: {  	s3 =	simm.s32 $0x108;
	s8 =	sld [smem:$0x3FB4]  }
0x2e: {  	s3 =	simm.s32 @!p0 $0x1082;
	s9 =	sld [smem:$0x3FB5]  }
0x2f: {  	lr =	sadd.s32 s0, s3;
	s0 =	sld [smem:$0x3FAC]  }
0x30: {  	s3 =	sld [smem:$0x3FAF]  }
0x31: {  	[smem:$0x3FB8] =	sst s10  }
0x32: {  	s10 =	sld [smem:$0x3FB6];
	_ =	sdelay $0x3  }
0x33: {  	p0 =	seq.s32 s10, $0x1;
	s10 =	sld [smem:$0x3FB8];
	_ =	sdelay $0x3  }
0x34: {  	[smem:$0x3FB8] =	sst s10  }
0x35: {  	s10 =	sld [smem:$0x3FB7];
	_ =	sdelay $0x3  }
0x36: {  	p1 =	seq.s32 s10, $0x1;
	s10 =	sld [smem:$0x3FB8];
	_ =	sdelay $0x3  }
0x37: {  	[smem:$0x3FB8] =	sst s10  }
0x38: {  	s10 =	sld [smem:$0x3FB9]  }
0x39: {  	_ = 	snop;
	(pc) =	sbr.ind lr, $3  }
0x3a: {  	_ = 	snop  }
0x3b: {  	_ = 	snop  }
0x3c: {  	p2 =	seq.s32 s10, $0x1;
	s10 =	sld [smem:$0x3FB8]  }
0x3d: {  	_ =	shalt  }
0x3e: {  	_ =	shalt  }
0x3f: {  	_ =	shalt  }
0x40: {  	_ =	shalt  }
0x41: {  	_ =	shalt  }
0x42: {  	_ =	shalt  }
0x43: {  	_ =	shalt  }
0x44: {  	_ =	shalt  }
0x45: {  	_ =	shalt  }
0x46: {  	_ =	shalt  }
0x47: {  	_ =	shalt  }
0x48: {  	_ =	shalt  }
0x49: {  	_ =	shalt  }
0x4a: {  	_ =	shalt  }
0x4b: {  	_ =	shalt  }
0x4c: {  	_ =	shalt  }
0x4d: {  	_ =	shalt  }
0x4e: {  	_ =	shalt  }
0x4f: {  	_ =	shalt  }
0x50: {  	_ =	shalt  }
0x51: {  	_ =	shalt  }
0x52: {  	_ =	shalt  }
0x53: {  	_ =	shalt  }
0x54: {  	_ =	shalt  }
0x55: {  	_ =	shalt  }
0x56: {  	_ =	shalt  }
0x57: {  	_ =	shalt  }
0x58: {  	_ =	shalt  }
0x59: {  	_ =	shalt  }
0x5a: {  	_ =	shalt  }
0x5b: {  	_ =	shalt  }
0x5c: {  	_ =	shalt  }
0x5d: {  	_ =	shalt  }
0x5e: {  	_ =	shalt  }
0x5f: {  	_ =	shalt  }
0x60: {  	_ =	shalt  }
0x61: {  	_ =	shalt  }
0x62: {  	_ =	shalt  }
0x63: {  	_ =	shalt  }
0x64: {  	_ =	shalt  }
0x65: {  	_ =	shalt  }
0x66: {  	_ =	shalt  }
0x67: {  	_ =	shalt  }
0x68: {  	_ =	shalt  }
0x69: {  	_ =	shalt  }
0x6a: {  	_ =	shalt  }
0x6b: {  	_ =	shalt  }
0x6c: {  	_ =	shalt  }
0x6d: {  	_ =	shalt  }
0x6e: {  	_ =	shalt  }
0x6f: {  	_ =	shalt  }
0x70: {  	_ =	shalt  }
0x71: {  	_ =	shalt  }
0x72: {  	_ =	shalt  }
0x73: {  	_ =	shalt  }
0x74: {  	_ =	shalt  }
0x75: {  	_ =	shalt  }
0x76: {  	_ =	shalt  }
0x77: {  	_ =	shalt  }
0x78: {  	_ =	shalt  }
0x79: {  	_ =	shalt  }
0x7a: {  	_ =	shalt  }
0x7b: {  	_ =	shalt  }
0x7c: {  	_ =	shalt  }
0x7d: {  	_ =	shalt  }
0x7e: {  	_ =	shalt  }
0x7f: {  	_ =	shalt  }
0x80: {  	_ =	shalt  }
0x81: {  	_ =	shalt  }
0x82: {  	_ =	shalt  }
0x83: {  	_ =	shalt  }
0x84: {  	_ =	shalt  }
0x85: {  	_ =	shalt  }
0x86: {  	_ =	shalt  }
0x87: {  	_ =	shalt  }
.Lfunc_end0:
.L_simem_size_0:
called_computation_lowered:
.L_overlay_start_0:
0x88: {  	s0 =	sld [smem:$0x3FD9]  }
0x89: {  	s1 =	sld [smem:$0x3FFE];
	_ =	sdelay $0x3  }
0x8a: {  	s0 =	sadd.s32 s1, s0  }
0x8b: {  	[smem:$0x3FC4] =	sst s0  }
0x8c: {  	_ = 	snop  }
0x8d: {  	s0 =	sld [smem:$0x3FC9]  }
0x8e: {  	s17 =	sld [smem:$0x3FC8]  }
0x8f: {  	s2 =	sld [smem:$0x3FC7]  }
0x90: {  	s3 =	sld [smem:$0x3FC6]  }
0x91: {  	s4 =	sld [smem:$0x3FD0];
	(tm) =	ssettm $0x1  }
0x92: {  	s5 =	sld [smem:$0x3FFB];
	_ =	sdelay $0x3  }
0x93: {  	_ =	strace s5  }
0x94: {  	s5 =	sld [smem:$0x3FFC];
	_ =	sdelay $0x3  }
0x95: {  	_ =	strace s5  }
0x96: {  	s5 =	sld [smem:$0x3FFD];
	_ =	sdelay $0x3  }
0x97: {  	_ =	strace s5  }
0x98: {  	_ =	strace $0x8FFFFFFF  }
0x99: {  	s18 =	sld [smem:$0x3FDB];
	_ =	sdelay $0x1  }
0x9a: {  	s6 =	simm.s32 $_scs_section_size  }
0x9b: {  	s7 =	simm.s32 $_size__tile_overlayer_lowered;
	s8 =	simm.s32 $_tile_overlayer_lowered  }
0x9c: {  	s21 =	simm.s32 $0x1BFF;
	s20 =	sshll.u32 s8, $0x1;
	s5 =	sadd.s32 s6, s18  }
0x9d: {  	s9 =	simm.s32 $0x0;
	s19 =	sshll.u32 s7, $0x1;
	s7 =	sadd.s32 s20, s5  }
0x9e: {  	[timem:s9], [sflag:s21] =	dma.local [hbm:s7], s19  }
0x9f: {  	_ =	swait.ge [sflag:s21], s19  }
0xa0: {  	s6 =	ssub.s32 $0x0, s19;
	[sflag:s21] =	ssyncset.done $0x0  }
0xa1: {  	[sflag:s21] =	ssyncadd.s32 s6;
	_ =	sdelay $0x1  }
0xa2: {  	s22 =	simm.s32 $0x1B8B  }
0xa3: {  	_ =	swait.ge [sflag:s22], $0x1  }
0xa4: {  	[sflag:s22] =	ssyncset.done $0x0  }
0xa5: {  	s23 =	simm.s32 $0x1B8E;
	[sflag:s22] =	ssyncadd.s32 $0xFFFFFFFF  }
0xa6: {  	s24 =	simm.s32 $execute0_lowered;
	[smem:$0x3FD2] =	sst s23  }
0xa7: {  	s6 =	sshll.u32 s24, $0x1;
	_ =	strace $0x80000046;
	[dreg:$0x1] =	wrdreg $0xFFFFFFFF  }
0xa8: {  	s25 =	simm.s32 $_size_execute0_lowered;
	s5 =	sadd.s32 s5, s6;
	[dreg:$0x0] =	wrdreg $0x0  }
0xa9: {  	s6 =	sshll.u32 s25, $0x1;
	[dreg:$0x2] =	wrdreg s5  }
0xaa: {  	[dreg:$0x3] =	wrdreg s6  }
0xab: {  	[dreg:$0x4] =	wrdreg $0xC0  }
0xac: {  	_ =	task [dreg:s9], $0x5FFFF  }
0xad: {  	[dreg:$0x1] =	wrdreg $0xFFFFFFFF  }
0xae: {  	[dreg:$0x0] =	wrdreg $0x60  }
0xaf: {  	[dreg:$0x2] =	wrdreg s0  }
0xb0: {  	[dreg:$0x3] =	wrdreg s17  }
0xb1: {  	[dreg:$0x4] =	wrdreg s2  }
0xb2: {  	[dreg:$0x5] =	wrdreg s3  }
0xb3: {  	[dreg:$0x6] =	wrdreg s4  }
0xb4: {  	[dreg:$0x7] =	wrdreg $0x3E000  }
0xb5: {  	[dreg:$0x8] =	wrdreg $0x9  }
0xb6: {  	_ =	task.clear_ibuf [dreg:s9], $0x9FFFF;
	_ =	strace $0x90000046  }
0xb7: {  	s26 =	simm.s32 $0x9;
	_ =	strace $0x80000048  }
0xb8: {  	_ =	swait.ge [sflag:s26], $0x1  }
0xb9: {  	[sflag:s26] =	ssyncadd.s32 $0xFFFFFFFF  }
0xba: {  	_ =	strace $0x90000048  }
0xbb: {  	_ =	sfence  }
0xbc: {  	s28 =	sld [smem:$0x0];
	_ =	sdelay $0x1  }
0xbd: {  	s29 =	srdreg.scid  }
0xbe: {  	s30 =	sshll.u32 s29, $0xD;
	s31 =	sshrl.u32 s29, $0x2  }
0xbf: {  	s1 =	sand.u32 $0x1, s29;
	s2 =	sand.u32 $0x4000, s30;
	s0 =	sadd.s32 s31, s28  }
0xc0: {  	s1 =	sor.u32 s2, s1;
	s0 =	sshll.u32 s0, $0x11  }
0xc1: {  	s0 =	sor.u32 s0, s1  }
0xc2: {  	s0 =	sadd.s32 $0x8F2B, s0  }
0xc3: {  	[sflag:s0] =	ssyncadd.remote.s32 $0x1  }
0xc4: {  	_ =	sfence.sel $0xFFFF  }
0xc5: {  	[dreg:$0x0] =	wrdreg $0xFFFFFFFF;
	(pc) =	sbr.abs _section_cstart, $3  }
0xc6: {  	[dreg:$0x1] =	wrdreg $0xFFFFFFFF  }
0xc7: {  	_ =	task.clear_ibuf [dreg:s9], $0x2FFFF;
	_ =	strace $0x9FFFFFFF  }
0xc8: {  	(tm) =	ssettm $0x7FFFFFFF  }
0xc9: {  	_ =	shalt  }
tec
execute0_lowered:
.L_overlay_start_1:
0x0: {  	(tag) =	ssettag $0x1  }
0x1: {  	s6 =	rddreg [dreg:$0x0]  }
0x2: {  	s9 =	rddreg [dreg:$0x1]  }
0x3: {  	s8 =	rddreg [dreg:$0x2]  }
0x4: {  	s7 =	rddreg [dreg:$0x3]  }
0x5: {  	s1 =	rddreg [dreg:$0x4]  }
0x6: {  	s4 =	rddreg [dreg:$0x5];
	s3 =	simm.s32 $0x0  }
0x7: {  	v0 =	vimm.f32 $0.0e+00;
	[smem:$0x7FF] =	sst s3  }
0x8: {  	s0 =	rddreg [dreg:$0x6];
	_ =	strace $0x80000047;
	[tilespmem:$0x3100] =	vst v0  }
0x9: {  	[tilespmem:$0x3110] =	vst v0  }
0xa: {  	[tilespmem:$0x3120] =	vst v0  }
0xb: {  	[tilespmem:$0x3130] =	vst v0  }
0xc: {  	[tilespmem:$0x3140] =	vst v0  }
0xd: {  	[tilespmem:$0x3150] =	vst v0  }
0xe: {  	[tilespmem:$0x3160] =	vst v0  }
0xf: {  	[tilespmem:$0x3170] =	vst v0  }
0x10: {  	[tilespmem:$0x3180] =	vst v0  }
0x11: {  	[tilespmem:$0x3190] =	vst v0  }
0x12: {  	[tilespmem:$0x31A0] =	vst v0  }
0x13: {  	[tilespmem:$0x31B0] =	vst v0  }
0x14: {  	[tilespmem:$0x31C0] =	vst v0  }
0x15: {  	[tilespmem:$0x31D0] =	vst v0  }
0x16: {  	[tilespmem:$0x31E0] =	vst v0  }
0x17: {  	[tilespmem:$0x31F0] =	vst v0  }
0x18: {  	[tilespmem:$0x3200] =	vst v0  }
0x19: {  	[tilespmem:$0x3210] =	vst v0  }
0x1a: {  	[tilespmem:$0x3220] =	vst v0  }
0x1b: {  	[tilespmem:$0x3230] =	vst v0  }
0x1c: {  	[tilespmem:$0x3240] =	vst v0  }
0x1d: {  	[tilespmem:$0x3250] =	vst v0  }
0x1e: {  	[tilespmem:$0x3260] =	vst v0  }
0x1f: {  	[tilespmem:$0x3270] =	vst v0  }
0x20: {  	[tilespmem:$0x3280] =	vst v0  }
0x21: {  	[tilespmem:$0x3290] =	vst v0  }
0x22: {  	[tilespmem:$0x32A0] =	vst v0  }
0x23: {  	[tilespmem:$0x32B0] =	vst v0  }
0x24: {  	[tilespmem:$0x32C0] =	vst v0  }
0x25: {  	[tilespmem:$0x32D0] =	vst v0  }
0x26: {  	[tilespmem:$0x32E0] =	vst v0  }
0x27: {  	[tilespmem:$0x32F0] =	vst v0  }
0x28: {  	[tilespmem:$0x3300] =	vst v0  }
0x29: {  	[tilespmem:$0x3310] =	vst v0  }
0x2a: {  	[tilespmem:$0x3320] =	vst v0  }
0x2b: {  	[tilespmem:$0x3330] =	vst v0  }
0x2c: {  	[tilespmem:$0x3340] =	vst v0  }
0x2d: {  	[tilespmem:$0x3350] =	vst v0  }
0x2e: {  	[tilespmem:$0x3360] =	vst v0  }
0x2f: {  	[tilespmem:$0x3370] =	vst v0  }
0x30: {  	[tilespmem:$0x3380] =	vst v0  }
0x31: {  	[tilespmem:$0x3390] =	vst v0  }
0x32: {  	[tilespmem:$0x33A0] =	vst v0  }
0x33: {  	[tilespmem:$0x33B0] =	vst v0  }
0x34: {  	[tilespmem:$0x33C0] =	vst v0  }
0x35: {  	[tilespmem:$0x33D0] =	vst v0  }
0x36: {  	[tilespmem:$0x33E0] =	vst v0  }
0x37: {  	[tilespmem:$0x33F0] =	vst v0  }
0x38: {  	[tilespmem:$0x3400] =	vst v0  }
0x39: {  	[tilespmem:$0x3410] =	vst v0  }
0x3a: {  	[tilespmem:$0x3420] =	vst v0  }
0x3b: {  	[tilespmem:$0x3430] =	vst v0  }
0x3c: {  	[tilespmem:$0x3440] =	vst v0  }
0x3d: {  	[tilespmem:$0x3450] =	vst v0  }
0x3e: {  	[tilespmem:$0x3460] =	vst v0  }
0x3f: {  	[tilespmem:$0x3470] =	vst v0  }
0x40: {  	[tilespmem:$0x3480] =	vst v0  }
0x41: {  	s2 =	stileid.u32;
	[tilespmem:$0x3490] =	vst v0  }
0x42: {  	p0 =	seq.s32 s2, $0xF;
	[tilespmem:$0x34A0] =	vst v0  }
.Ltmp0:
0x43: {  	[tilespmem:$0x34B0] =	vst v0;
	(pc) =	sbr.rel @!p0 .LBB2_1-.Ltmp0, $4  }
0x44: {  	[tilespmem:$0x34C0] =	vst v0  }
0x45: {  	[tilespmem:$0x34D0] =	vst v0  }
0x46: {  	s5 =	sshll.u32 s2, $0xA;
	[tilespmem:$0x34E0] =	vst v0  }
0x47: {  	s5 =	sadd.s32 s5, s4;
	[tilespmem:$0x34F0] =	vst v0  }
0x48: {  	s9 =	sadd.s32 $0x2DD2, s9  }
0x49: {  	[tilespmem:s3], [sflag:$0x1] =	stream.linear.gather [hbm4b:s9+s3], $0x1810, $0x38;
	[tilespmem:$0x4200] =	vst v63  }
0x4a: {  	s28 =	sadd.s32 $0x2DD2, s6;
	s6 =	simm.s32 $0x1880  }
0x4b: {  	[tilespmem:s6], [sflag:$0x1] =	stream.linear.gather [hbm4b:s28+s3], $0x1810, $0x38;
	[tilespmem:$0x4200] =	vst v63  }
0x4c: {  	s29 =	simm.s32 $0x3D80  }
0x4d: {  	[tilespmem:s29], [sflag:$0x1] =	stream.linear.gather [hbm4b:s8+s3], $0x1, $0x38;
	[tilespmem:$0x4200] =	vst v63  }
0x4e: {  	s30 =	simm.s32 $0x3D88;
	s31 =	simm.s32 $0x1  }
0x4f: {  	[tilespmem:s30], [sflag:$0x1] =	stream.linear.gather [hbm4b:s7+s3], $0x1, $0x38;
	[tilespmem:$0x4200] =	vst v63  }
0x50: {  	_ =	swait.ge [sflag:s31], $0x1810  }
0x51: {  	[sflag:s31] =	ssyncset.done $0x0  }
0x52: {  	[sflag:s31] =	ssyncadd.s32 $0xFFFFE7F0  }
0x53: {  	_ =	swait.ge [sflag:s31], $0x1810  }
0x54: {  	[sflag:s31] =	ssyncset.done $0x0  }
0x55: {  	v0 =	vlaneseq.u32;
	[sflag:s31] =	ssyncadd.s32 $0xFFFFE7F0  }
0x56: {  	v1 =	vmul.u32 $0x181, v0;
	_ =	swait.ge [sflag:s31], $0x1  }
0x57: {  	[sflag:s31] =	ssyncset.done $0x0  }
0x58: {  	v2 =	vadd.s32 $0x7, v1;
	[sflag:s31] =	ssyncadd.s32 $0xFFFFFFFF  }
0x59: {  	v5 =	vadd.s32 $0x1, v1;
	_ =	swait.ge [sflag:s31], $0x1  }
0x5a: {  	[sflag:s31] =	ssyncset.done $0x0  }
0x5b: {  	v6 =	vadd.s32 $0x2, v1;
	[sflag:s31] =	ssyncadd.s32 $0xFFFFFFFF  }
0x5c: {  	v7 =	vadd.s32 $0x3, v1;
	v0 =	vld.idx.msk [tilespmem:v1+s3+$0x0], $0xffff  }
0x5d: {  	v8 =	vadd.s32 $0x4, v1;
	v9 =	vld.idx.msk [tilespmem:v2+s3+$0x0], $0xffff  }
0x5e: {  	v10 =	vadd.s32 $0x5, v1;
	v11 =	vld.idx.msk [tilespmem:v5+s3+$0x0], $0xffff  }
0x5f: {  	v12 =	vadd.s32 $0x6, v1;
	v13 =	vld.idx.msk [tilespmem:v2+s6+$0x0], $0xffff  }
0x60: {  	v14 =	vld.idx.msk [tilespmem:v6+s3+$0x0], $0xffff  }
0x61: {  	v15 =	vld.idx.msk [tilespmem:v7+s3+$0x0], $0xffff  }
0x62: {  	v4 =	vld.idx.msk [tilespmem:v8+s3+$0x0], $0xffff  }
0x63: {  	v2 =	vld.idx.msk [tilespmem:v10+s3+$0x0], $0xffff  }
0x64: {  	v3 =	vld.idx.msk [tilespmem:v12+s3+$0x0], $0xffff  }
0x65: {  	v63 =	vld.idx.msk [tilespmem:v6+s6+$0x0], $0xffff  }
0x66: {  	v16 =	vld.idx.msk [tilespmem:v7+s6+$0x0], $0xffff  }
0x67: {  	v8 =	vld.idx.msk [tilespmem:v8+s6+$0x0], $0xffff  }
0x68: {  	s7 =	simm.s32 $0x3100;
	v7 =	vld.idx.msk [tilespmem:v10+s6+$0x0], $0xffff  }
0x69: {  	[tilespmem:v9+s7+$0x0] =	vst.idx.add.f32.msk $0xffff, v13  }
0x6a: {  	v9 =	vld.idx.msk [tilespmem:v5+s6+$0x0], $0xffff  }
0x6b: {  	v6 =	vld.idx.msk [tilespmem:v1+s6+$0x0], $0xffff  }
0x6c: {  	v5 =	vld.idx.msk [tilespmem:v12+s6+$0x0], $0xffff  }
0x6d: {  	[tilespmem:v14+s7+$0x0] =	vst.idx.add.f32.msk $0xffff, v63  }
0x6e: {  	[tilespmem:v15+s7+$0x0] =	vst.idx.add.f32.msk $0xffff, v16  }
0x6f: {  	s8 =	simm.s32 $0x0;
	v1 =	vadd.s32 $0x8, v1;
	[tilespmem:v11+s7+$0x0] =	vst.idx.add.f32.msk $0xffff, v9  }
.LBB2_6:
0x70: {  	v9 =	vadd.s32 $0x1, v1;
	v10 =	vadd.s32 $0x2, v1;
	v11 =	vadd.s32 $0x7, v1;
	s8 =	sadd.s32 $0x8, s8;
	[tilespmem:v4+s7+$0x0] =	vst.idx.add.f32.msk $0xffff, v8  }
0x71: {  	v8 =	vadd.s32 $0x3, v1;
	v12 =	vadd.s32 $0x4, v1;
	v13 =	vadd.s32 $0x5, v1;
	p0 =	slt.u32 s8, $0x178;
	[tilespmem:v2+s7+$0x0] =	vst.idx.add.f32.msk $0xffff, v7  }
0x72: {  	v14 =	vadd.s32 $0x6, v1;
	[tilespmem:v3+s7+$0x0] =	vst.idx.add.f32.msk $0xffff, v5  }
0x73: {  	[tilespmem:v0+s7+$0x0] =	vst.idx.add.f32.msk $0xffff, v6  }
0x74: {  	v0 =	vld.idx.msk [tilespmem:v1+s3+$0x0], $0xffff  }
0x75: {  	v5 =	vld.idx.msk [tilespmem:v11+s3+$0x0], $0xffff  }
0x76: {  	v15 =	vld.idx.msk [tilespmem:v9+s3+$0x0], $0xffff  }
0x77: {  	v6 =	vld.idx.msk [tilespmem:v11+s6+$0x0], $0xffff  }
0x78: {  	v11 =	vld.idx.msk [tilespmem:v10+s3+$0x0], $0xffff  }
0x79: {  	v16 =	vld.idx.msk [tilespmem:v8+s3+$0x0], $0xffff  }
0x7a: {  	v4 =	vld.idx.msk [tilespmem:v12+s3+$0x0], $0xffff  }
0x7b: {  	v2 =	vld.idx.msk [tilespmem:v13+s3+$0x0], $0xffff  }
0x7c: {  	v3 =	vld.idx.msk [tilespmem:v14+s3+$0x0], $0xffff  }
0x7d: {  	[tilespmem:v5+s7+$0x0] =	vst.idx.add.f32.msk $0xffff, v6  }
0x7e: {  	v9 =	vld.idx.msk [tilespmem:v9+s6+$0x0], $0xffff  }
0x7f: {  	v10 =	vld.idx.msk [tilespmem:v10+s6+$0x0], $0xffff  }
0x80: {  	v17 =	vld.idx.msk [tilespmem:v8+s6+$0x0], $0xffff  }
0x81: {  	v8 =	vld.idx.msk [tilespmem:v12+s6+$0x0], $0xffff  }
0x82: {  	v7 =	vld.idx.msk [tilespmem:v13+s6+$0x0], $0xffff  }
.Ltmp1:
0x83: {  	v5 =	vld.idx.msk [tilespmem:v14+s6+$0x0], $0xffff;
	(pc) =	sbr.rel @p0 .LBB2_6-.Ltmp1, $4  }
0x84: {  	v6 =	vld.idx.msk [tilespmem:v1+s6+$0x0], $0xffff  }
0x85: {  	[tilespmem:v15+s7+$0x0] =	vst.idx.add.f32.msk $0xffff, v9  }
0x86: {  	[tilespmem:v11+s7+$0x0] =	vst.idx.add.f32.msk $0xffff, v10  }
0x87: {  	v1 =	vadd.s32 $0x8, v1;
	[tilespmem:v16+s7+$0x0] =	vst.idx.add.f32.msk $0xffff, v17  }
0x88: {  	_ =	sdelay $0x3  }
0x89: {  	[tilespmem:v4+s7+$0x0] =	vst.idx.add.f32.msk $0xffff, v8  }
0x8a: {  	[tilespmem:v2+s7+$0x0] =	vst.idx.add.f32.msk $0xffff, v7  }
0x8b: {  	[tilespmem:v3+s7+$0x0] =	vst.idx.add.f32.msk $0xffff, v5  }
0x8c: {  	s3 =	simm.s32 $0x0;
	[tilespmem:v0+s7+$0x0] =	vst.idx.add.f32.msk $0xffff, v6  }
0x8d: {  	v0 =	vld.idx.msk [tilespmem:v1+s3+$0x0], $0xffff;
	_ =	sdelay $0x1  }
0x8e: {  	s30 =	simm.s32 $0x1880  }
0x8f: {  	v63 =	vld.idx.msk [tilespmem:v1+s30+$0x0], $0xffff  }
.Ltmp2:
0x90: {  	_ = 	snop;
	(pc) =	sbr.rel .LBB2_8-.Ltmp2, $3  }
0x91: {  	_ =	sdelay $0x1  }
0x92: {  	s31 =	simm.s32 $0x3100  }
0x93: {  	[tilespmem:v0+s31+$0x0] =	vst.idx.add.f32.msk $0xffff, v63  }
.LBB2_1:
0x94: {  	s10 =	smul.u32 $0x30E, s2;
	_ =	sdelay $0x1  }
0x95: {  	s9 =	sadd.s32 s9, s10  }
0x96: {  	[tilespmem:s3], [sflag:$0x1] =	stream.linear.gather [hbm4b:s9+s3], $0x1870, $0x38;
	[tilespmem:$0x4200] =	vst v63  }
0x97: {  	s28 =	sadd.s32 s6, s10;
	s6 =	simm.s32 $0x1880  }
0x98: {  	[tilespmem:s6], [sflag:$0x1] =	stream.linear.gather [hbm4b:s28+s3], $0x1870, $0x38;
	[tilespmem:$0x4200] =	vst v63  }
0x99: {  	s29 =	simm.s32 $0x3D80  }
0x9a: {  	[tilespmem:s29], [sflag:$0x1] =	stream.linear.gather [hbm4b:s8+s3], $0x1, $0x38;
	[tilespmem:$0x4200] =	vst v63  }
0x9b: {  	s30 =	simm.s32 $0x3D88;
	s31 =	simm.s32 $0x1  }
0x9c: {  	[tilespmem:s30], [sflag:$0x1] =	stream.linear.gather [hbm4b:s7+s3], $0x1, $0x38;
	[tilespmem:$0x4200] =	vst v63  }
0x9d: {  	_ =	swait.ge [sflag:s31], $0x1870  }
0x9e: {  	[sflag:s31] =	ssyncset.done $0x0  }
0x9f: {  	[sflag:s31] =	ssyncadd.s32 $0xFFFFE790  }
0xa0: {  	_ =	swait.ge [sflag:s31], $0x1870  }
0xa1: {  	[sflag:s31] =	ssyncset.done $0x0  }
0xa2: {  	v0 =	vlaneseq.u32;
	[sflag:s31] =	ssyncadd.s32 $0xFFFFE790  }
0xa3: {  	v1 =	vmul.u32 $0x187, v0;
	_ =	swait.ge [sflag:s31], $0x1  }
0xa4: {  	[sflag:s31] =	ssyncset.done $0x0  }
0xa5: {  	v2 =	vadd.s32 $0x7, v1;
	[sflag:s31] =	ssyncadd.s32 $0xFFFFFFFF  }
0xa6: {  	v5 =	vadd.s32 $0x1, v1;
	_ =	swait.ge [sflag:s31], $0x1  }
0xa7: {  	[sflag:s31] =	ssyncset.done $0x0  }
0xa8: {  	v6 =	vadd.s32 $0x2, v1;
	[sflag:s31] =	ssyncadd.s32 $0xFFFFFFFF  }
0xa9: {  	v7 =	vadd.s32 $0x3, v1;
	v0 =	vld.idx.msk [tilespmem:v1+s3+$0x0], $0xffff  }
0xaa: {  	v8 =	vadd.s32 $0x4, v1;
	v9 =	vld.idx.msk [tilespmem:v2+s3+$0x0], $0xffff  }
0xab: {  	v10 =	vadd.s32 $0x5, v1;
	v11 =	vld.idx.msk [tilespmem:v5+s3+$0x0], $0xffff  }
0xac: {  	v12 =	vadd.s32 $0x6, v1;
	v13 =	vld.idx.msk [tilespmem:v2+s6+$0x0], $0xffff  }
0xad: {  	v14 =	vld.idx.msk [tilespmem:v6+s3+$0x0], $0xffff  }
0xae: {  	v15 =	vld.idx.msk [tilespmem:v7+s3+$0x0], $0xffff  }
0xaf: {  	v4 =	vld.idx.msk [tilespmem:v8+s3+$0x0], $0xffff  }
0xb0: {  	v2 =	vld.idx.msk [tilespmem:v10+s3+$0x0], $0xffff  }
0xb1: {  	v3 =	vld.idx.msk [tilespmem:v12+s3+$0x0], $0xffff  }
0xb2: {  	v63 =	vld.idx.msk [tilespmem:v6+s6+$0x0], $0xffff  }
0xb3: {  	v16 =	vld.idx.msk [tilespmem:v7+s6+$0x0], $0xffff  }
0xb4: {  	v8 =	vld.idx.msk [tilespmem:v8+s6+$0x0], $0xffff  }
0xb5: {  	s7 =	simm.s32 $0x3100;
	v7 =	vld.idx.msk [tilespmem:v10+s6+$0x0], $0xffff  }
0xb6: {  	[tilespmem:v9+s7+$0x0] =	vst.idx.add.f32.msk $0xffff, v13  }
0xb7: {  	v9 =	vld.idx.msk [tilespmem:v5+s6+$0x0], $0xffff  }
0xb8: {  	v6 =	vld.idx.msk [tilespmem:v12+s6+$0x0], $0xffff  }
0xb9: {  	v5 =	vld.idx.msk [tilespmem:v1+s6+$0x0], $0xffff  }
0xba: {  	[tilespmem:v14+s7+$0x0] =	vst.idx.add.f32.msk $0xffff, v63  }
0xbb: {  	[tilespmem:v15+s7+$0x0] =	vst.idx.add.f32.msk $0xffff, v16  }
0xbc: {  	s8 =	simm.s32 $0x0;
	v1 =	vadd.s32 $0x8, v1;
	[tilespmem:v11+s7+$0x0] =	vst.idx.add.f32.msk $0xffff, v9  }
.LBB2_2:
0xbd: {  	v9 =	vadd.s32 $0x1, v1;
	v10 =	vadd.s32 $0x2, v1;
	v11 =	vadd.s32 $0x7, v1;
	s8 =	sadd.s32 $0x8, s8;
	[tilespmem:v4+s7+$0x0] =	vst.idx.add.f32.msk $0xffff, v8  }
0xbe: {  	v8 =	vadd.s32 $0x3, v1;
	v12 =	vadd.s32 $0x4, v1;
	v13 =	vadd.s32 $0x5, v1;
	p0 =	slt.u32 s8, $0x178;
	[tilespmem:v2+s7+$0x0] =	vst.idx.add.f32.msk $0xffff, v7  }
0xbf: {  	v14 =	vadd.s32 $0x6, v1;
	[tilespmem:v3+s7+$0x0] =	vst.idx.add.f32.msk $0xffff, v6  }
0xc0: {  	[tilespmem:v0+s7+$0x0] =	vst.idx.add.f32.msk $0xffff, v5  }
0xc1: {  	v0 =	vld.idx.msk [tilespmem:v1+s3+$0x0], $0xffff  }
0xc2: {  	v5 =	vld.idx.msk [tilespmem:v11+s3+$0x0], $0xffff  }
0xc3: {  	v15 =	vld.idx.msk [tilespmem:v9+s3+$0x0], $0xffff  }
0xc4: {  	v6 =	vld.idx.msk [tilespmem:v11+s6+$0x0], $0xffff  }
0xc5: {  	v11 =	vld.idx.msk [tilespmem:v10+s3+$0x0], $0xffff  }
0xc6: {  	v16 =	vld.idx.msk [tilespmem:v8+s3+$0x0], $0xffff  }
0xc7: {  	v4 =	vld.idx.msk [tilespmem:v12+s3+$0x0], $0xffff  }
0xc8: {  	v2 =	vld.idx.msk [tilespmem:v13+s3+$0x0], $0xffff  }
0xc9: {  	v3 =	vld.idx.msk [tilespmem:v14+s3+$0x0], $0xffff  }
0xca: {  	[tilespmem:v5+s7+$0x0] =	vst.idx.add.f32.msk $0xffff, v6  }
0xcb: {  	v9 =	vld.idx.msk [tilespmem:v9+s6+$0x0], $0xffff  }
0xcc: {  	v10 =	vld.idx.msk [tilespmem:v10+s6+$0x0], $0xffff  }
0xcd: {  	v17 =	vld.idx.msk [tilespmem:v8+s6+$0x0], $0xffff  }
0xce: {  	v8 =	vld.idx.msk [tilespmem:v12+s6+$0x0], $0xffff  }
0xcf: {  	v7 =	vld.idx.msk [tilespmem:v13+s6+$0x0], $0xffff  }
.Ltmp3:
0xd0: {  	v6 =	vld.idx.msk [tilespmem:v14+s6+$0x0], $0xffff;
	(pc) =	sbr.rel @p0 .LBB2_2-.Ltmp3, $4  }
0xd1: {  	v5 =	vld.idx.msk [tilespmem:v1+s6+$0x0], $0xffff  }
0xd2: {  	[tilespmem:v15+s7+$0x0] =	vst.idx.add.f32.msk $0xffff, v9  }
0xd3: {  	[tilespmem:v11+s7+$0x0] =	vst.idx.add.f32.msk $0xffff, v10  }
0xd4: {  	v1 =	vadd.s32 $0x8, v1;
	[tilespmem:v16+s7+$0x0] =	vst.idx.add.f32.msk $0xffff, v17  }
0xd5: {  	_ =	sdelay $0x3  }
0xd6: {  	[tilespmem:v4+s7+$0x0] =	vst.idx.add.f32.msk $0xffff, v8  }
0xd7: {  	[tilespmem:v2+s7+$0x0] =	vst.idx.add.f32.msk $0xffff, v7  }
0xd8: {  	[tilespmem:v3+s7+$0x0] =	vst.idx.add.f32.msk $0xffff, v6;
	s3 =	simm.s32 $0x7  }
0xd9: {  	s6 =	simm.s32 $0x0;
	s8 =	simm.s32 $0x3100;
	[tilespmem:v0+s7+$0x0] =	vst.idx.add.f32.msk $0xffff, v5;
	s7 =	simm.s32 $0x1880  }
.LBB2_4:
0xda: {  	_ =	sdelay $0x3  }
0xdb: {  	v0 =	vld.idx.msk [tilespmem:v1+s6+$0x0], $0xffff;
	_ =	sdelay $0x2  }
0xdc: {  	v2 =	vld.idx.msk [tilespmem:v1+s7+$0x0], $0xffff;
	p0 =	seq.s32 s3, $0x1  }
.Ltmp4:
0xdd: {  	_ = 	snop;
	(pc) =	sbr.rel @!p0 .LBB2_4-.Ltmp4, $2  }
0xde: {  	_ =	sdelay $0x2  }
0xdf: {  	v1 =	vadd.s32 $0x1, v1;
	s3 =	sadd.s32 $0xFFFFFFFF, s3;
	[tilespmem:v0+s8+$0x0] =	vst.idx.add.f32.msk $0xffff, v2  }
.LBB2_8:
0xe0: {  	s3 =	simm.s32 $0x3100  }
0xe1: {  	[spmem:s5] =	stream.linear.scatter [tilespmem:s3], [sflag:$0x2], $0x400, $0x38;
	[tilespmem:$0x4200] =	vst v63  }
0xe2: {  	p0 =	sgt.u32 s2, $0x7;
	s3 =	simm.s32 $0x2  }
.Ltmp5:
0xe3: {  	_ =	swait.ge [sflag:s3], $0x400;
	(pc) =	sbr.rel @p0 .LBB2_10-.Ltmp5, $3  }
0xe4: {  	[sflag:s3] =	ssyncset.done $0x0  }
0xe5: {  	[sflag:s3] =	ssyncadd.s32 $0xFFFFFC00  }
0xe6: {  	[bflag:$0x0] =	sbarrier.arrive $0xFFFF;
	_ =	sdelay $0x1  }
0xe7: {  	s5 =	sshll.u32 s2, $0x7  }
0xe8: {  	s23 =	simm.s32 $0x3500;
	s4 =	sadd.s32 s5, s4  }
0xe9: {  	[tilespmem:s23], [sflag:$0x1] =	stream.linear.gather [spmem:s4], $0x80, $0x38;
	[tilespmem:$0x4200] =	vst v63  }
0xea: {  	s6 =	simm.s32 $0x3580;
	s24 =	sadd.s32 $0x400, s4  }
0xeb: {  	[tilespmem:s6], [sflag:$0x1] =	stream.linear.gather [spmem:s24], $0x80, $0x38;
	[tilespmem:$0x4200] =	vst v63  }
0xec: {  	s26 =	simm.s32 $0x3600;
	s25 =	sadd.s32 $0x800, s4  }
0xed: {  	[tilespmem:s26], [sflag:$0x1] =	stream.linear.gather [spmem:s25], $0x80, $0x38;
	[tilespmem:$0x4200] =	vst v63  }
0xee: {  	s29 =	simm.s32 $0x3680;
	s28 =	sadd.s32 $0xC00, s4  }
0xef: {  	[tilespmem:s29], [sflag:$0x1] =	stream.linear.gather [spmem:s28], $0x80, $0x38;
	[tilespmem:$0x4200] =	vst v63  }
0xf0: {  	s31 =	simm.s32 $0x3700;
	s30 =	sadd.s32 $0x1000, s4  }
0xf1: {  	[tilespmem:s31], [sflag:$0x1] =	stream.linear.gather [spmem:s30], $0x80, $0x38;
	[tilespmem:$0x4200] =	vst v63  }
0xf2: {  	s7 =	simm.s32 $0x3780;
	s6 =	sadd.s32 $0x1400, s4  }
0xf3: {  	[tilespmem:s7], [sflag:$0x1] =	stream.linear.gather [spmem:s6], $0x80, $0x38;
	[tilespmem:$0x4200] =	vst v63  }
0xf4: {  	s9 =	simm.s32 $0x3800;
	s8 =	sadd.s32 $0x1800, s4  }
0xf5: {  	[tilespmem:s9], [sflag:$0x1] =	stream.linear.gather [spmem:s8], $0x80, $0x38;
	[tilespmem:$0x4200] =	vst v63  }
0xf6: {  	s11 =	simm.s32 $0x3880;
	s10 =	sadd.s32 $0x1C00, s4  }
0xf7: {  	[tilespmem:s11], [sflag:$0x1] =	stream.linear.gather [spmem:s10], $0x80, $0x38;
	[tilespmem:$0x4200] =	vst v63  }
0xf8: {  	s13 =	simm.s32 $0x3900;
	s12 =	sadd.s32 $0x2000, s4  }
0xf9: {  	[tilespmem:s13], [sflag:$0x1] =	stream.linear.gather [spmem:s12], $0x80, $0x38;
	[tilespmem:$0x4200] =	vst v63  }
0xfa: {  	s15 =	simm.s32 $0x3980;
	s14 =	sadd.s32 $0x2400, s4  }
0xfb: {  	[tilespmem:s15], [sflag:$0x1] =	stream.linear.gather [spmem:s14], $0x80, $0x38;
	[tilespmem:$0x4200] =	vst v63  }
0xfc: {  	s17 =	simm.s32 $0x3A00;
	s16 =	sadd.s32 $0x2800, s4  }
0xfd: {  	[tilespmem:s17], [sflag:$0x1] =	stream.linear.gather [spmem:s16], $0x80, $0x38;
	[tilespmem:$0x4200] =	vst v63  }
0xfe: {  	s19 =	simm.s32 $0x3A80;
	s18 =	sadd.s32 $0x2C00, s4  }
0xff: {  	[tilespmem:s19], [sflag:$0x1] =	stream.linear.gather [spmem:s18], $0x80, $0x38;
	[tilespmem:$0x4200] =	vst v63  }
0x100: {  	s21 =	simm.s32 $0x3B00;
	s20 =	sadd.s32 $0x3000, s4  }
0x101: {  	[tilespmem:s21], [sflag:$0x1] =	stream.linear.gather [spmem:s20], $0x80, $0x38;
	[tilespmem:$0x4200] =	vst v63  }
0x102: {  	s22 =	sadd.s32 $0x3400, s4;
	s23 =	simm.s32 $0x3B80  }
0x103: {  	[tilespmem:s23], [sflag:$0x1] =	stream.linear.gather [spmem:s22], $0x80, $0x38;
	[tilespmem:$0x4200] =	vst v63  }
0x104: {  	s24 =	sadd.s32 $0x3800, s4;
	s25 =	simm.s32 $0x3C00  }
0x105: {  	[tilespmem:s25], [sflag:$0x1] =	stream.linear.gather [spmem:s24], $0x80, $0x38;
	[tilespmem:$0x4200] =	vst v63  }
0x106: {  	s4 =	sadd.s32 $0x3C00, s4;
	s26 =	simm.s32 $0x3C80;
	s28 =	simm.s32 $0x1  }
0x107: {  	[tilespmem:s26], [sflag:$0x1] =	stream.linear.gather [spmem:s4], $0x80, $0x38;
	[tilespmem:$0x4200] =	vst v63  }
0x108: {  	_ =	swait.ge [sflag:s28], $0x80  }
0x109: {  	[sflag:s28] =	ssyncset.done $0x0  }
0x10a: {  	[sflag:s28] =	ssyncadd.s32 $0xFFFFFF80  }
0x10b: {  	_ =	swait.ge [sflag:s28], $0x80  }
0x10c: {  	[sflag:s28] =	ssyncset.done $0x0  }
0x10d: {  	[sflag:s28] =	ssyncadd.s32 $0xFFFFFF80  }
0x10e: {  	_ =	swait.ge [sflag:s28], $0x80  }
0x10f: {  	[sflag:s28] =	ssyncset.done $0x0  }
0x110: {  	[sflag:s28] =	ssyncadd.s32 $0xFFFFFF80  }
0x111: {  	_ =	swait.ge [sflag:s28], $0x80  }
0x112: {  	[sflag:s28] =	ssyncset.done $0x0  }
0x113: {  	[sflag:s28] =	ssyncadd.s32 $0xFFFFFF80  }
0x114: {  	_ =	swait.ge [sflag:s28], $0x80  }
0x115: {  	[sflag:s28] =	ssyncset.done $0x0  }
0x116: {  	[sflag:s28] =	ssyncadd.s32 $0xFFFFFF80  }
0x117: {  	_ =	swait.ge [sflag:s28], $0x80  }
0x118: {  	[sflag:s28] =	ssyncset.done $0x0  }
0x119: {  	[sflag:s28] =	ssyncadd.s32 $0xFFFFFF80  }
0x11a: {  	_ =	swait.ge [sflag:s28], $0x80  }
0x11b: {  	[sflag:s28] =	ssyncset.done $0x0  }
0x11c: {  	[sflag:s28] =	ssyncadd.s32 $0xFFFFFF80  }
0x11d: {  	_ =	swait.ge [sflag:s28], $0x80  }
0x11e: {  	[sflag:s28] =	ssyncset.done $0x0  }
0x11f: {  	[sflag:s28] =	ssyncadd.s32 $0xFFFFFF80  }
0x120: {  	_ =	swait.ge [sflag:s28], $0x80  }
0x121: {  	[sflag:s28] =	ssyncset.done $0x0  }
0x122: {  	[sflag:s28] =	ssyncadd.s32 $0xFFFFFF80  }
0x123: {  	_ =	swait.ge [sflag:s28], $0x80  }
0x124: {  	[sflag:s28] =	ssyncset.done $0x0  }
0x125: {  	[sflag:s28] =	ssyncadd.s32 $0xFFFFFF80  }
0x126: {  	_ =	swait.ge [sflag:s28], $0x80  }
0x127: {  	[sflag:s28] =	ssyncset.done $0x0  }
0x128: {  	[sflag:s28] =	ssyncadd.s32 $0xFFFFFF80  }
0x129: {  	_ =	swait.ge [sflag:s28], $0x80  }
0x12a: {  	[sflag:s28] =	ssyncset.done $0x0  }
0x12b: {  	[sflag:s28] =	ssyncadd.s32 $0xFFFFFF80  }
0x12c: {  	_ =	swait.ge [sflag:s28], $0x80  }
0x12d: {  	[sflag:s28] =	ssyncset.done $0x0  }
0x12e: {  	[sflag:s28] =	ssyncadd.s32 $0xFFFFFF80  }
0x12f: {  	_ =	swait.ge [sflag:s28], $0x80  }
0x130: {  	[sflag:s28] =	ssyncset.done $0x0  }
0x131: {  	[sflag:s28] =	ssyncadd.s32 $0xFFFFFF80  }
0x132: {  	_ =	swait.ge [sflag:s28], $0x80  }
0x133: {  	[sflag:s28] =	ssyncset.done $0x0  }
0x134: {  	[sflag:s28] =	ssyncadd.s32 $0xFFFFFF80  }
0x135: {  	_ =	swait.ge [sflag:s28], $0x80  }
0x136: {  	[sflag:s28] =	ssyncset.done $0x0  }
0x137: {  	[sflag:s28] =	ssyncadd.s32 $0xFFFFFF80  }
0x138: {  	v0 =	vld [tilespmem:$0x3D80]  }
0x139: {  	v1 =	vld [tilespmem:$0x3500]  }
0x13a: {  	v2 =	vld [tilespmem:$0x3580]  }
0x13b: {  	v4 =	vld [tilespmem:$0x3600]  }
0x13c: {  	v5 =	vld [tilespmem:$0x3680]  }
0x13d: {  	v6 =	vld [tilespmem:$0x3700]  }
0x13e: {  	v7 =	vld [tilespmem:$0x3780]  }
0x13f: {  	v8 =	vld [tilespmem:$0x3800]  }
0x140: {  	v9 =	vld [tilespmem:$0x3880]  }
0x141: {  	v10 =	vld [tilespmem:$0x3900]  }
0x142: {  	v11 =	vld [tilespmem:$0x3980]  }
0x143: {  	v13 =	vld [tilespmem:$0x3A00]  }
0x144: {  	v14 =	vld [tilespmem:$0x3A80]  }
0x145: {  	v15 =	vld [tilespmem:$0x3B00]  }
0x146: {  	v16 =	vld [tilespmem:$0x3B80]  }
0x147: {  	v48 =	vld [tilespmem:$0x3C00]  }
0x148: {  	v49 =	vld [tilespmem:$0x3C80]  }
0x149: {  	v17 =	vld [tilespmem:$0x3510]  }
0x14a: {  	v18 =	vld [tilespmem:$0x3590]  }
0x14b: {  	v19 =	vld [tilespmem:$0x3610]  }
0x14c: {  	v20 =	vld [tilespmem:$0x3690]  }
0x14d: {  	v21 =	vld [tilespmem:$0x3710]  }
0x14e: {  	v22 =	vld [tilespmem:$0x3790]  }
0x14f: {  	v23 =	vld [tilespmem:$0x3810]  }
0x150: {  	v24 =	vld [tilespmem:$0x3890]  }
0x151: {  	v25 =	vld [tilespmem:$0x3910]  }
0x152: {  	v26 =	vld [tilespmem:$0x3990]  }
0x153: {  	v27 =	vld [tilespmem:$0x3A10]  }
0x154: {  	v28 =	vld [tilespmem:$0x3A90]  }
0x155: {  	v29 =	vld [tilespmem:$0x3B10]  }
0x156: {  	v30 =	vld [tilespmem:$0x3B90]  }
0x157: {  	v31 =	vld [tilespmem:$0x3C10]  }
0x158: {  	v32 =	vld [tilespmem:$0x3C90]  }
0x159: {  	v33 =	vld [tilespmem:$0x3520]  }
0x15a: {  	v34 =	vld [tilespmem:$0x35A0]  }
0x15b: {  	v35 =	vld [tilespmem:$0x3620]  }
0x15c: {  	v36 =	vld [tilespmem:$0x36A0]  }
0x15d: {  	v37 =	vld [tilespmem:$0x3720]  }
0x15e: {  	v38 =	vld [tilespmem:$0x37A0]  }
0x15f: {  	v39 =	vld [tilespmem:$0x3820]  }
0x160: {  	v40 =	vld [tilespmem:$0x38A0]  }
0x161: {  	v41 =	vld [tilespmem:$0x3920]  }
0x162: {  	v42 =	vld [tilespmem:$0x39A0]  }
0x163: {  	v43 =	vld [tilespmem:$0x3A20]  }
0x164: {  	v44 =	vld [tilespmem:$0x3AA0]  }
0x165: {  	v45 =	vld [tilespmem:$0x3B20]  }
0x166: {  	v46 =	vld [tilespmem:$0x3BA0]  }
0x167: {  	v47 =	vld [tilespmem:$0x3C20]  }
0x168: {  	v50 =	vld [tilespmem:$0x35B0]  }
0x169: {  	v51 =	vld [tilespmem:$0x3630]  }
0x16a: {  	v52 =	vld [tilespmem:$0x36B0]  }
0x16b: {  	v53 =	vld [tilespmem:$0x3730]  }
0x16c: {  	v54 =	vld [tilespmem:$0x37B0]  }
0x16d: {  	v55 =	vld [tilespmem:$0x3830]  }
0x16e: {  	v56 =	vld [tilespmem:$0x38B0]  }
0x16f: {  	v57 =	vld [tilespmem:$0x3930]  }
0x170: {  	v58 =	vld [tilespmem:$0x39B0]  }
0x171: {  	v59 =	vld [tilespmem:$0x3A30]  }
0x172: {  	v60 =	vld [tilespmem:$0x3AB0]  }
0x173: {  	v61 =	vld [tilespmem:$0x3B30]  }
0x174: {  	v62 =	vld [tilespmem:$0x3BB0]  }
0x175: {  	v63 =	vld [tilespmem:$0x3C30]  }
0x176: {  	v12 =	vld [tilespmem:$0x3CB0]  }
0x177: {  	v3 =	vld [tilespmem:$0x3640]  }
0x178: {  	[tilespmem:$0x1FFD0] =	vst v48;
	v48 =	vld [tilespmem:$0x3CA0]  }
0x179: {  	[tilespmem:$0x1FFE0] =	vst v49;
	v49 =	vld [tilespmem:$0x3530];
	v1 =	vadd.f32 $0.0e+00, v1  }
0x17a: {  	[tilespmem:$0x1FFF0] =	vst v0;
	v0 =	vld [tilespmem:$0x3540];
	v17 =	vadd.f32 $0.0e+00, v17  }
0x17b: {  	v1 =	vadd.f32 v2, v1;
	v2 =	vld [tilespmem:$0x35C0]  }
0x17c: {  	v17 =	vadd.f32 v18, v17;
	v18 =	vld [tilespmem:$0x3740]  }
0x17d: {  	v1 =	vadd.f32 v4, v1;
	v4 =	vld [tilespmem:$0x36C0]  }
0x17e: {  	v17 =	vadd.f32 v19, v17;
	v19 =	vadd.f32 $0.0e+00, v49;
	v49 =	vld [tilespmem:$0x3840]  }
0x17f: {  	v1 =	vadd.f32 v5, v1;
	v5 =	vadd.f32 $0.0e+00, v33;
	v33 =	vld [tilespmem:$0x37C0]  }
0x180: {  	v50 =	vadd.f32 v50, v19;
	v19 =	vld [tilespmem:$0x3940]  }
0x181: {  	v0 =	vadd.f32 $0.0e+00, v0;
	v5 =	vadd.f32 v34, v5;
	v34 =	vld [tilespmem:$0x38C0]  }
0x182: {  	v1 =	vadd.f32 v6, v1;
	v6 =	vadd.f32 v20, v17;
	v20 =	vld [tilespmem:$0x3A40]  }
0x183: {  	v17 =	vadd.f32 v51, v50;
	v50 =	vld [tilespmem:$0x3BD0]  }
0x184: {  	v0 =	vadd.f32 v2, v0;
	v51 =	vld [tilespmem:$0x3560];
	v1 =	vadd.f32 v7, v1  }
0x185: {  	v7 =	vld [tilespmem:$0x39C0];
	v6 =	vadd.f32 v21, v6  }
0x186: {  	v0 =	vadd.f32 v3, v0;
	v1 =	vadd.f32 v8, v1;
	v8 =	vld [tilespmem:$0x3AC0]  }
0x187: {  	v5 =	vadd.f32 v35, v5;
	v21 =	vadd.f32 v22, v6;
	v22 =	vld [tilespmem:$0x3B40]  }
0x188: {  	v17 =	vadd.f32 v52, v17;
	v6 =	vld [tilespmem:$0x3BC0]  }
0x189: {  	v0 =	vadd.f32 v4, v0;
	v5 =	vadd.f32 v36, v5;
	v36 =	vld [tilespmem:$0x3CD0]  }
0x18a: {  	v17 =	vadd.f32 v53, v17;
	v53 =	vld [tilespmem:$0x35E0]  }
0x18b: {  	v0 =	vadd.f32 v18, v0;
	v52 =	vadd.f32 v37, v5;
	v5 =	vld [tilespmem:$0x3C40]  }
0x18c: {  	v1 =	vadd.f32 v9, v1;
	v21 =	vadd.f32 v23, v21;
	v37 =	vld [tilespmem:$0x3970]  }
0x18d: {  	v17 =	vadd.f32 v54, v17;
	v54 =	vld [tilespmem:$0x3550];
	v0 =	vadd.f32 v33, v0  }
0x18e: {  	v33 =	vld [tilespmem:$0x38F0];
	v10 =	vadd.f32 v10, v1;
	v9 =	vadd.f32 v38, v52  }
0x18f: {  	v1 =	vld [tilespmem:$0x3CC0];
	v21 =	vadd.f32 v24, v21;
	v17 =	vadd.f32 v55, v17  }
0x190: {  	v24 =	vld [tilespmem:$0x3650];
	v0 =	vadd.f32 v49, v0;
	v10 =	vadd.f32 v11, v10  }
0x191: {  	v52 =	vld [tilespmem:$0x3570];
	v9 =	vadd.f32 v39, v9;
	v21 =	vadd.f32 v25, v21  }
0x192: {  	v38 =	vld [tilespmem:$0x39E0];
	v17 =	vadd.f32 v56, v17;
	v56 =	vadd.f32 $0.0e+00, v51  }
0x193: {  	v55 =	vld [tilespmem:$0x3660];
	v0 =	vadd.f32 v34, v0;
	v10 =	vadd.f32 v13, v10  }
0x194: {  	v11 =	vld [tilespmem:$0x35D0];
	v9 =	vadd.f32 v40, v9;
	v21 =	vadd.f32 v26, v21  }
0x195: {  	v25 =	vld [tilespmem:$0x3750];
	v23 =	vadd.f32 $0.0e+00, v54;
	v17 =	vadd.f32 v57, v17  }
0x196: {  	v39 =	vld [tilespmem:$0x39F0];
	v2 =	vadd.f32 $0.0e+00, v52;
	v4 =	vadd.f32 v53, v56  }
0x197: {  	v13 =	vld [tilespmem:$0x36D0];
	v0 =	vadd.f32 v19, v0;
	v10 =	vadd.f32 v14, v10  }
0x198: {  	v54 =	vld [tilespmem:$0x35F0];
	v9 =	vadd.f32 v41, v9;
	v21 =	vadd.f32 v27, v21  }
0x199: {  	v26 =	vld [tilespmem:$0x3850];
	v17 =	vadd.f32 v58, v17;
	v11 =	vadd.f32 v11, v23  }
0x19a: {  	v40 =	vld [tilespmem:$0x3950];
	v4 =	vadd.f32 v55, v4;
	v0 =	vadd.f32 v7, v0  }
0x19b: {  	v57 =	vld [tilespmem:$0x3670];
	v10 =	vadd.f32 v15, v10;
	v9 =	vadd.f32 v42, v9  }
0x19c: {  	v14 =	vld [tilespmem:$0x37D0];
	v21 =	vadd.f32 v28, v21;
	v17 =	vadd.f32 v59, v17  }
0x19d: {  	v41 =	vld [tilespmem:$0x39D0];
	v11 =	vadd.f32 v24, v11;
	v2 =	vadd.f32 v54, v2  }
0x19e: {  	v58 =	vld [tilespmem:$0x36E0];
	v0 =	vadd.f32 v20, v0;
	v10 =	vadd.f32 v16, v10  }
0x19f: {  	v15 =	vld [tilespmem:$0x38D0];
	v9 =	vadd.f32 v43, v9;
	v21 =	vadd.f32 v29, v21  }
0x1a0: {  	v42 =	vld [tilespmem:$0x3A50];
	v17 =	vadd.f32 v60, v17;
	v11 =	vadd.f32 v13, v11  }
0x1a1: {  	v59 =	vld [tilespmem:$0x36F0];
	v2 =	vadd.f32 v57, v2;
	v0 =	vadd.f32 v8, v0  }
0x1a2: {  	v24 =	vld [tilespmem:$0x3860];
	v9 =	vadd.f32 v44, v9;
	v11 =	vadd.f32 v25, v11  }
0x1a3: {  	v43 =	vld [tilespmem:$0x1FFD0];
	v21 =	vadd.f32 v30, v21;
	v17 =	vadd.f32 v61, v17  }
0x1a4: {  	v60 =	vld [tilespmem:$0x3760];
	v4 =	vadd.f32 v58, v4;
	v11 =	vadd.f32 v14, v11  }
0x1a5: {  	v61 =	vld [tilespmem:$0x3770];
	v0 =	vadd.f32 v22, v0;
	v17 =	vadd.f32 v62, v17  }
0x1a6: {  	v9 =	vadd.f32 v45, v9;
	v62 =	vld [tilespmem:$0x37E0];
	v11 =	vadd.f32 v26, v11  }
0x1a7: {  	v21 =	vadd.f32 v31, v21;
	v17 =	vadd.f32 v63, v17;
	v63 =	vld [tilespmem:$0x37F0]  }
0x1a8: {  	v44 =	vld [tilespmem:$0x1FFE0];
	v2 =	vadd.f32 v59, v2;
	v11 =	vadd.f32 v15, v11  }
0x1a9: {  	v25 =	vld [tilespmem:$0x3870];
	v21 =	vadd.f32 v32, v21;
	v3 =	vadd.f32 v60, v4  }
0x1aa: {  	v32 =	vld [tilespmem:$0x38E0];
	v2 =	vadd.f32 v61, v2;
	v11 =	vadd.f32 v40, v11  }
0x1ab: {  	v29 =	vld [tilespmem:$0x3AD0];
	v10 =	vadd.f32 v43, v10;
	v3 =	vadd.f32 v62, v3  }
0x1ac: {  	v34 =	vld [tilespmem:$0x3960];
	v2 =	vadd.f32 v63, v2;
	v11 =	vadd.f32 v41, v11  }
0x1ad: {  	v30 =	vld [tilespmem:$0x3B50];
	v9 =	vadd.f32 v46, v9;
	v3 =	vadd.f32 v24, v3  }
0x1ae: {  	v31 =	vld [tilespmem:$0x3C50];
	v2 =	vadd.f32 v25, v2;
	v11 =	vadd.f32 v42, v11  }
0x1af: {  	v43 =	vld [tilespmem:$0x3AF0];
	v10 =	vadd.f32 v44, v10;
	v3 =	vadd.f32 v32, v3  }
0x1b0: {  	v40 =	vld [tilespmem:$0x3A60];
	v2 =	vadd.f32 v33, v2;
	v11 =	vadd.f32 v29, v11  }
0x1b1: {  	v9 =	vadd.f32 v47, v9;
	v41 =	vld [tilespmem:$0x3A70];
	v3 =	vadd.f32 v34, v3  }
0x1b2: {  	v42 =	vld [tilespmem:$0x3AE0];
	v2 =	vadd.f32 v37, v2;
	v11 =	vadd.f32 v30, v11  }
0x1b3: {  	v44 =	vld [tilespmem:$0x3B60];
	v9 =	vadd.f32 v48, v9;
	v3 =	vadd.f32 v38, v3  }
0x1b4: {  	v2 =	vadd.f32 v39, v2;
	v48 =	vadd.f32 v50, v11;
	v50 =	vld [tilespmem:$0x1FFF0]  }
0x1b5: {  	v45 =	vld [tilespmem:$0x3B70];
	v0 =	vadd.f32 v6, v0;
	v3 =	vadd.f32 v40, v3  }
0x1b6: {  	v46 =	vld [tilespmem:$0x3BE0];
	v2 =	vadd.f32 v41, v2  }
0x1b7: {  	v0 =	vadd.f32 v5, v0;
	v47 =	vld [tilespmem:$0x3BF0];
	v3 =	vadd.f32 v42, v3  }
0x1b8: {  	v49 =	vld [tilespmem:$0x3C60];
	v12 =	vadd.f32 v12, v17;
	v2 =	vadd.f32 v43, v2  }
0x1b9: {  	v52 =	vld [tilespmem:$0x3C70];
	v0 =	vadd.f32 v1, v0;
	v3 =	vadd.f32 v44, v3;
	v51 =	vbroadcast v50, $0x0  }
0x1ba: {  	v53 =	vld [tilespmem:$0x3CE0];
	v7 =	vadd.f32 v31, v48;
	v2 =	vadd.f32 v45, v2  }
0x1bb: {  	v55 =	vld [tilespmem:$0x3CF0];
	v54 =	vbroadcast v50, $0x8;
	v3 =	vadd.f32 v46, v3;
	v10 =	vmul.f32 v10, v51  }
0x1bc: {  	v7 =	vadd.f32 v36, v7;
	v2 =	vadd.f32 v47, v2;
	v56 =	vmul.f32 v21, v51  }
0x1bd: {  	v3 =	vadd.f32 v49, v3;
	v9 =	vmul.f32 v9, v51;
	v57 =	vadd.f32 v10, v54  }
0x1be: {  	v58 =	vmul.f32 v12, v51;
	v2 =	vadd.f32 v52, v2;
	v5 =	vadd.f32 v56, v54  }
0x1bf: {  	v0 =	vmul.f32 v0, v51;
	v3 =	vadd.f32 v53, v3;
	v59 =	vadd.f32 v9, v54;
	[tilespmem:$0x3D00] =	vst v57  }
0x1c0: {  	v61 =	vmul.f32 v7, v51;
	v60 =	vadd.f32 v58, v54;
	[tilespmem:$0x3D10] =	vst v5;
	v2 =	vadd.f32 v55, v2  }
0x1c1: {  	v0 =	vadd.f32 v0, v54;
	[tilespmem:$0x3D20] =	vst v59;
	v3 =	vmul.f32 v3, v51  }
0x1c2: {  	v62 =	vadd.f32 v61, v54;
	[tilespmem:$0x3D30] =	vst v60;
	v1 =	vmul.f32 v2, v51  }
0x1c3: {  	[tilespmem:$0x3D40] =	vst v0;
	v63 =	vadd.f32 v3, v54  }
0x1c4: {  	[tilespmem:$0x3D50] =	vst v62;
	v1 =	vadd.f32 v1, v54  }
0x1c5: {  	s29 =	sshll.u32 s2, $0x4;
	[tilespmem:$0x3D60] =	vst v63  }
0x1c6: {  	s1 =	sadd.s32 s1, s29;
	s30 =	simm.s32 $0x0;
	s31 =	simm.s32 $0x3D00;
	[tilespmem:$0x3D70] =	vst v1  }
0x1c7: {  	[hbm4b:s1+s30] =	stream.linear.scatter [tilespmem:s31], [sflag:$0x2], $0x80, $0x38;
	[tilespmem:$0x4200] =	vst v63  }
0x1c8: {  	_ =	swait.ge [sflag:s3], $0x80  }
0x1c9: {  	[sflag:s3] =	ssyncset.done $0x0  }
0x1ca: {  	[sflag:s3] =	ssyncadd.s32 $0xFFFFFF80  }
.LBB2_10:
0x1cb: {  	_ =	sfence.sel $0x180000  }
0x1cc: {  	[bflag:$0x0] =	sbarrier.arrive $0xFFFF  }
0x1cd: {  	p0 =	sne.s32 s2, $0x0;
	_ =	strace $0x90000047  }
0x1ce: {  	s0 =	sadd.s32 @!p0 $0x100000, s0;
	[bflag:$0x2] =	sbarrier.arrive $0xFFFF  }
0x1cf: {  	[sflag:s0] =	ssyncadd.tile.s32 @!p0 $0x1;
	_ =	shalt  }
.Lfunc_end2:
_tile_overlayer_lowered:
.L_overlay_start_2:
0x1d0: {  	(tag) =	ssettag $0x2  }
0x1d1: {  	s0 =	rddreg [dreg:$0x0];
	s2 =	stileid.u32  }
0x1d2: {  	s1 =	rddreg [dreg:$0x1];
	p0 =	sne.s32 s2, $0x0  }
0x1d3: {  	s3 =	rddreg [dreg:$0x2];
	[bflag:$0x3] =	sbarrier.arrive $0xFFFF;
	s2 =	simm.s32 @!p0 $0x1C02  }
0x1d4: {  	[timem:s3], [sflag:s2] =	dma.local @!p0 [hbm:s0], s1  }
0x1d5: {  	s0 =	simm.s32 @!p0 $0x2  }
0x1d6: {  	_ =	swait.ge @!p0 [sflag:s0], s1  }
0x1d7: {  	s1 =	ssub.s32 @!p0 $0x0, s1;
	[sflag:s0] =	ssyncset.done @!p0 $0x0  }
0x1d8: {  	[sflag:s0] =	ssyncadd.s32 @!p0 s1  }
0x1d9: {  	[bflag:$0x3] =	sbarrier.arrive $0xFFFF  }
0x1da: {  	_ =	shalt  }

</sc_bundles>
